<compile_context>
chip_gen: v7x
topology: tpu7x:2x2x1
jax: 0.10.2.dev20260603
libtpu: 0.0.44.dev20260713+nightly
codegen_flags: <defaults>
</compile_context>

<pallas_src>
import functools

import jax
import jax.numpy as jnp
from jax import lax
from jax.experimental import pallas as pl
from jax.experimental.pallas import tpu as pltpu
from jax.experimental.pallas import tpu_sc as plsc

NC = 2
NS = 16
NW = NC * NS
K = 128



def _deg_kernel_body(cpt, rpt, dstr_hbm, ones_hbm, zeros_hbm, out_hbm,
                     hist, dbuf, ones_v):
  c = lax.axis_index("c")
  s = lax.axis_index("s")
  wid = c * NS + s
  pltpu.sync_copy(ones_hbm, ones_v)
  pltpu.sync_copy(zeros_hbm, hist.at[pl.ds(s * rpt, rpt)])
  plsc.subcore_barrier()

  def step(t, carry):
    chunk = wid * cpt + t
    pltpu.sync_copy(dstr_hbm.at[chunk], dbuf.at[0])
    pltpu.sync_copy(ones_v, hist.at[dbuf.at[0]], add=True)
    return carry

  lax.fori_loop(0, cpt, step, 0)
  plsc.subcore_barrier()
  pltpu.sync_copy(hist.at[pl.ds(s * rpt, rpt)], out_hbm.at[c, s])


def _scatter_kernel_body(cpt, rpt, g_hbm, srcr_hbm, dstr_hbm, zeros_hbm,
                         out_hbm, agg, sbuf, dbuf, rows, sem):
  c = lax.axis_index("c")
  s = lax.axis_index("s")
  wid = c * NS + s
  pltpu.sync_copy(zeros_hbm, agg.at[pl.ds(s * rpt, rpt)])
  plsc.subcore_barrier()

  def step(t, carry):
    chunk = wid * cpt + t
    pltpu.sync_copy(srcr_hbm.at[chunk], sbuf.at[0])
    pltpu.sync_copy(dstr_hbm.at[chunk], dbuf.at[0])
    pltpu.async_copy(g_hbm.at[sbuf.at[0]], rows.at[0], sem).wait()
    pltpu.sync_copy(rows.at[0], agg.at[dbuf.at[0]], add=True)
    return carry

  lax.fori_loop(0, cpt, step, 0)
  plsc.subcore_barrier()
  pltpu.sync_copy(agg.at[pl.ds(s * rpt, rpt)], out_hbm.at[c, s])


def _make_sc_kernels(n, e):
  cpt = -(-e // (K * NW))
  npad = ((n + NS) + NS - 1) // NS * NS
  rpt = npad // NS
  mesh = plsc.VectorSubcoreMesh(core_axis_name="c", subcore_axis_name="s",
                                num_cores=NC, num_subcores=NS)

  deg_kernel = pl.kernel(
      functools.partial(_deg_kernel_body, cpt, rpt),
      out_type=jax.ShapeDtypeStruct((NC, NS, rpt, 128), jnp.float32),
      mesh=mesh,
      scratch_types=[
          pltpu.VMEM_SHARED((npad, 128), jnp.float32),
          pltpu.VMEM((1, K), jnp.int32),
          pltpu.VMEM((K, 128), jnp.float32),
      ],
  )

  scatter_kernel = pl.kernel(
      functools.partial(_scatter_kernel_body, cpt, rpt),
      out_type=jax.ShapeDtypeStruct((NC, NS, rpt, 128), jnp.float32),
      mesh=mesh,
      scratch_types=[
          pltpu.VMEM_SHARED((npad, 128), jnp.float32),
          pltpu.VMEM((1, K), jnp.int32),
          pltpu.VMEM((1, K), jnp.int32),
          pltpu.VMEM((1, K, 128), jnp.float32),
          pltpu.SemaphoreType.DMA,
      ],
  )
  return deg_kernel, scatter_kernel, cpt, npad, rpt



def _pro_body(degp_ref, x_ref, dis_ref, g_ref):
  deg = degp_ref[0, :, 0:1] + degp_ref[1, :, 0:1] + 1.0
  dis = lax.rsqrt(deg)
  dis_b = jnp.broadcast_to(dis, x_ref.shape)
  dis_ref[...] = dis_b
  g_ref[...] = x_ref[...] * dis_b


def _layer_body(relu, aggp_ref, h_ref, dis_ref, w_ref, b_ref, h_out, g_out):
  dis = dis_ref[...]
  h = h_ref[...]
  a = dis * (aggp_ref[0] + aggp_ref[1]) + h * dis * dis
  z = jnp.dot(a, w_ref[...], preferred_element_type=jnp.float32) + b_ref[...]
  if relu:
    z = jnp.maximum(z, 0.0)
  h_out[...] = z
  g_out[...] = z * dis


def _final_body(c_out, aggp_ref, h_ref, dis_ref, w_ref, b_ref, o_ref):
  dis = dis_ref[...]
  h = h_ref[...]
  a = dis * (aggp_ref[0] + aggp_ref[1]) + h * dis * dis
  z = jnp.dot(a, w_ref[...], preferred_element_type=jnp.float32) + b_ref[...]
  col = lax.broadcasted_iota(jnp.int32, z.shape, 1)
  zm = jnp.where(col < c_out, z, -1e30)
  m = jnp.max(zm, axis=1, keepdims=True)
  ssum = jnp.sum(jnp.exp(zm - m), axis=1, keepdims=True)
  o_ref[...] = z - m - jnp.log(ssum)


def _make_tc_kernels(n):
  blk = 1000
  grid = (n // blk,)
  f32 = jnp.float32

  row = lambda i: (i, 0)
  par = lambda i: (0, i, 0)
  fix = lambda i: (0, 0)

  pro = pl.pallas_call(
      _pro_body,
      grid=grid,
      in_specs=[pl.BlockSpec((2, blk, 128), par),
                pl.BlockSpec((blk, 128), row)],
      out_specs=[pl.BlockSpec((blk, 128), row),
                 pl.BlockSpec((blk, 128), row)],
      out_shape=[jax.ShapeDtypeStruct((n, 128), f32),
                 jax.ShapeDtypeStruct((n, 128), f32)],
  )

  def make_layer(relu):
    return pl.pallas_call(
        functools.partial(_layer_body, relu),
        grid=grid,
        in_specs=[pl.BlockSpec((2, blk, 128), par),
                  pl.BlockSpec((blk, 128), row),
                  pl.BlockSpec((blk, 128), row),
                  pl.BlockSpec((128, 128), fix),
                  pl.BlockSpec((1, 128), fix)],
        out_specs=[pl.BlockSpec((blk, 128), row),
                   pl.BlockSpec((blk, 128), row)],
        out_shape=[jax.ShapeDtypeStruct((n, 128), f32),
                   jax.ShapeDtypeStruct((n, 128), f32)],
    )

  def make_final(c_out):
    return pl.pallas_call(
        functools.partial(_final_body, c_out),
        grid=grid,
        in_specs=[pl.BlockSpec((2, blk, 128), par),
                  pl.BlockSpec((blk, 128), row),
                  pl.BlockSpec((blk, 128), row),
                  pl.BlockSpec((128, 128), fix),
                  pl.BlockSpec((1, 128), fix)],
        out_specs=pl.BlockSpec((blk, 128), row),
        out_shape=jax.ShapeDtypeStruct((n, 128), f32),
    )

  return pro, make_layer(True), make_final



@jax.jit
def kernel(x, edge_index, W1, b1, W2, b2, W3, b3, W4, b4):
  n, d = x.shape
  e = edge_index.shape[1]
  c_out = W4.shape[1]

  deg_kernel, scatter_kernel, cpt, npad, rpt = _make_sc_kernels(n, e)
  pro, layer_k, make_final = _make_tc_kernels(n)

  ep = NW * cpt * K
  src_p = jnp.concatenate(
      [edge_index[0], jnp.zeros((ep - e,), jnp.int32)]).reshape(NW * cpt, K)
  dst_p = jnp.concatenate(
      [edge_index[1], jnp.full((ep - e,), n, jnp.int32)]).reshape(NW * cpt, K)

  zeros128 = jnp.zeros((rpt, 128), jnp.float32)
  ones128 = jnp.ones((K, 128), jnp.float32)

  degp = deg_kernel(dst_p, ones128, zeros128)
  degp = degp.reshape(NC, npad, 128)[:, :n]
  dis_b, g = pro(degp, x)

  def agg(gv):
    p = scatter_kernel(gv, src_p, dst_p, zeros128)
    return p.reshape(NC, npad, 128)[:, :n]

  h = x
  for W, b in ((W1, b1), (W2, b2), (W3, b3)):
    h, g = layer_k(agg(g), h, dis_b, W, b.reshape(1, -1))

  w4p = jnp.zeros((d, 128), jnp.float32).at[:, :c_out].set(W4)
  b4p = jnp.zeros((1, 128), jnp.float32).at[0, :c_out].set(b4)
  out = make_final(c_out)(agg(g), h, dis_b, w4p, b4p)
  return out[:, :c_out]

# --- scband reference (transcript-rebuilt; emitter-appended) ---
"""Pipeline reference for scband-gcn-net-42889543417856 (READ-ONLY COPY).

The authoritative reference and input builder live on the scoring server;
editing this copy changes nothing except your own understanding.
"""

import jax, jax.numpy as jnp
import numpy as np

N = 10000
E = 320000
D = 128
H = 128
C = 40


def setup_inputs(seed: int = 0) -> dict:
    key = jax.random.key(seed)
    ks = jax.random.split(key, 12)
    x = jax.random.normal(ks[0], (N, D), dtype=jnp.float32)
    edge_index = jax.random.randint(ks[1], (2, E), 0, N, dtype=jnp.int32)
    W1 = jax.random.normal(ks[2], (D, H), dtype=jnp.float32) * 0.05
    b1 = jnp.zeros((H,), dtype=jnp.float32)
    W2 = jax.random.normal(ks[3], (H, H), dtype=jnp.float32) * 0.05
    b2 = jnp.zeros((H,), dtype=jnp.float32)
    W3 = jax.random.normal(ks[4], (H, H), dtype=jnp.float32) * 0.05
    b3 = jnp.zeros((H,), dtype=jnp.float32)
    W4 = jax.random.normal(ks[5], (H, C), dtype=jnp.float32) * 0.05
    b4 = jnp.zeros((C,), dtype=jnp.float32)
    return {"x": x, "edge_index": edge_index, "W1": W1, "b1": b1,
            "W2": W2, "b2": b2, "W3": W3, "b3": b3, "W4": W4, "b4": b4}


def _gcn_conv(x, edge_index, W, b):
    # Faithful PyG GCNConv: linear transform, add self-loops, symmetric norm,
    # scatter-add aggregation over destination nodes, then bias.
    n = x.shape[0]
    loop = jnp.arange(n, dtype=edge_index.dtype)
    src = jnp.concatenate([edge_index[0], loop])
    dst = jnp.concatenate([edge_index[1], loop])
    ones = jnp.ones(src.shape[0], dtype=x.dtype)
    deg = jax.ops.segment_sum(ones, dst, num_segments=n)
    deg_inv_sqrt = jnp.where(deg > 0, 1.0 / jnp.sqrt(deg), 0.0)
    norm = deg_inv_sqrt[src] * deg_inv_sqrt[dst]
    h = x @ W
    msg = h[src] * norm[:, None]
    out = jax.ops.segment_sum(msg, dst, num_segments=n)
    return out + b


def reference(x, edge_index, W1, b1, W2, b2, W3, b3, W4, b4):
    # eval-mode forward (dropout is identity in eval)
    h = jax.nn.relu(_gcn_conv(x, edge_index, W1, b1))
    h = jax.nn.relu(_gcn_conv(h, edge_index, W2, b2))
    h = jax.nn.relu(_gcn_conv(h, edge_index, W3, b3))
    h = _gcn_conv(h, edge_index, W4, b4)
    return jax.nn.log_softmax(h, axis=1)

if __name__ == "__main__":
    import jax
    _d = setup_inputs()
    print(jax.jit(kernel)(*tuple(_d.values())))

</pallas_src>

<mosaic_0001>
#map = affine_map<(d0, d1) -> (0, 0)>
#map1 = affine_map<(d0, d1) -> (0, 0, 0, 0)>
module attributes {stable_mosaic.version = 14 : i64} {
  func.func @_scatter_kernel_body(%arg0: i32, %arg1: i32, %arg2: memref<10000x128xf32, #tpu.memory_space<hbm>>, %arg3: memref<2528x128xi32, #tpu.memory_space<hbm>>, %arg4: memref<2528x128xi32, #tpu.memory_space<hbm>>, %arg5: memref<626x128xf32, #tpu.memory_space<hbm>>, %arg6: memref<2x16x626x128xf32, #tpu.memory_space<hbm>>, %arg7: memref<10016x128xf32, #tpu.memory_space<vmem_shared>>, %arg8: memref<1x128xi32, #tpu.memory_space<vmem>>, %arg9: memref<1x128xi32, #tpu.memory_space<vmem>>, %arg10: memref<1x128x128xf32, #tpu.memory_space<vmem>>, %arg11: memref<!tpu.dma_semaphore, #tpu.memory_space<semaphore_mem>>) attributes {dimension_semantics = [#tpu.dimension_semantics<core_parallel>, #tpu.dimension_semantics<subcore_parallel>], iteration_bounds = array<i64: 2, 16>, scalar_prefetch = 0 : i64, scratch_operands = 5 : i64, tpu.core_type = #tpu.core_type<sc_vector_subcore>, window_params = [{transform_indices = #map}, {transform_indices = #map}, {transform_indices = #map}, {transform_indices = #map}, {transform_indices = #map1}]} {
    %mul3A = arith.constant 16 : i32
    %mul3A_0 = arith.muli %arg0, %mul3A : i32
    %add3A = arith.addi %mul3A_0, %arg1 : i32
    %mul3A_1 = arith.constant 626 : i32
    %mul3A_2 = arith.muli %arg1, %mul3A_1 : i32
    "tpu.region"() ({
      %run_scoped3A = tpu.sem_alloc : memref<!tpu.dma_semaphore, #tpu.memory_space<semaphore_mem>>
      %dma_start3A = arith.constant 0 : i32
      %dma_start3A_11 = tpu.memref_slice %arg7[%mul3A_2, %dma_start3A] : memref<10016x128xf32, #tpu.memory_space<vmem_shared>> -> memref<626x128xf32, #tpu.memory_space<vmem_shared>>
      tpu.enqueue_dma source(%arg5 : memref<626x128xf32, #tpu.memory_space<hbm>>) target(%dma_start3A_11 : memref<626x128xf32, #tpu.memory_space<vmem_shared>>) target_semaphore(%run_scoped3A : memref<!tpu.dma_semaphore, #tpu.memory_space<semaphore_mem>>)
      %dma_wait3A = arith.constant 0 : i32
      %dma_wait3A_12 = tpu.memref_slice %arg7[%mul3A_2, %dma_wait3A] : memref<10016x128xf32, #tpu.memory_space<vmem_shared>> -> memref<626x128xf32, #tpu.memory_space<vmem_shared>>
      tpu.wait_dma2 semaphore(%run_scoped3A : memref<!tpu.dma_semaphore, #tpu.memory_space<semaphore_mem>>) src(%arg5 : memref<626x128xf32, #tpu.memory_space<hbm>>) dst(%dma_wait3A_12 : memref<626x128xf32, #tpu.memory_space<vmem_shared>>)
      tpu.yield
    }) : () -> ()
    %barrier3A = arith.constant 0 : index
    tpu.barrier barrier_id(%barrier3A)
    %scan3A = arith.constant 0 : i32
    %scan3A_3 = arith.constant 0 : i32
    %scan3A_4 = arith.constant 79 : i32
    %scan3A_5 = arith.addi %scan3A_3, %scan3A_4 : i32
    %scan3A_6 = arith.constant 1 : i32
    scf.for %scan3A_11 = %scan3A_3 to %scan3A_5 step %scan3A_6  : i32 {
      %mul3A_12 = arith.constant 79 : i32
      %mul3A_13 = arith.muli %add3A, %mul3A_12 : i32
      %add3A_14 = arith.addi %mul3A_13, %scan3A_11 : i32
      %run_scoped3A = arith.constant 0 : i32
      "tpu.region"() ({
        %run_scoped3A_40 = tpu.sem_alloc : memref<!tpu.dma_semaphore, #tpu.memory_space<semaphore_mem>>
        %dma_start3A_41 = arith.constant 0 : i32
        %dma_start3A_42 = tpu.memref_slice %arg8[%run_scoped3A, %dma_start3A_41] : memref<1x128xi32, #tpu.memory_space<vmem>> -> memref<1x128xi32, #tpu.memory_space<vmem>>
        %dma_start3A_43 = tpu.memref_squeeze %dma_start3A_42 : memref<1x128xi32, #tpu.memory_space<vmem>> -> memref<128xi32, #tpu.memory_space<vmem>>
        %dma_start3A_44 = arith.constant 0 : i32
        %dma_start3A_45 = tpu.memref_slice %arg3[%add3A_14, %dma_start3A_44] : memref<2528x128xi32, #tpu.memory_space<hbm>> -> memref<1x128xi32, #tpu.memory_space<hbm>>
        %dma_start3A_46 = tpu.memref_squeeze %dma_start3A_45 : memref<1x128xi32, #tpu.memory_space<hbm>> -> memref<128xi32, #tpu.memory_space<hbm>>
        %dma_start3A_47 = arith.constant 0 : i32
        %dma_start3A_48 = tpu.memref_slice %arg8[%run_scoped3A, %dma_start3A_47] : memref<1x128xi32, #tpu.memory_space<vmem>> -> memref<1x128xi32, #tpu.memory_space<vmem>>
        %dma_start3A_49 = tpu.memref_squeeze %dma_start3A_48 : memref<1x128xi32, #tpu.memory_space<vmem>> -> memref<128xi32, #tpu.memory_space<vmem>>
        %dma_start3A_50 = arith.constant 0 : i32
        %dma_start3A_51 = tpu.memref_slice %arg3[%add3A_14, %dma_start3A_50] : memref<2528x128xi32, #tpu.memory_space<hbm>> -> memref<1x128xi32, #tpu.memory_space<hbm>>
        %dma_start3A_52 = tpu.memref_squeeze %dma_start3A_51 : memref<1x128xi32, #tpu.memory_space<hbm>> -> memref<128xi32, #tpu.memory_space<hbm>>
        tpu.enqueue_dma source(%dma_start3A_52 : memref<128xi32, #tpu.memory_space<hbm>>) target(%dma_start3A_49 : memref<128xi32, #tpu.memory_space<vmem>>) target_semaphore(%run_scoped3A_40 : memref<!tpu.dma_semaphore, #tpu.memory_space<semaphore_mem>>)
        %dma_wait3A_53 = arith.constant 0 : i32
        %dma_wait3A_54 = tpu.memref_slice %arg8[%run_scoped3A, %dma_wait3A_53] : memref<1x128xi32, #tpu.memory_space<vmem>> -> memref<1x128xi32, #tpu.memory_space<vmem>>
        %dma_wait3A_55 = tpu.memref_squeeze %dma_wait3A_54 : memref<1x128xi32, #tpu.memory_space<vmem>> -> memref<128xi32, #tpu.memory_space<vmem>>
        %dma_wait3A_56 = arith.constant 0 : i32
        %dma_wait3A_57 = tpu.memref_slice %arg3[%add3A_14, %dma_wait3A_56] : memref<2528x128xi32, #tpu.memory_space<hbm>> -> memref<1x128xi32, #tpu.memory_space<hbm>>
        %dma_wait3A_58 = tpu.memref_squeeze %dma_wait3A_57 : memref<1x128xi32, #tpu.memory_space<hbm>> -> memref<128xi32, #tpu.memory_space<hbm>>
        %dma_wait3A_59 = arith.constant 0 : i32
        %dma_wait3A_60 = tpu.memref_slice %arg8[%run_scoped3A, %dma_wait3A_59] : memref<1x128xi32, #tpu.memory_space<vmem>> -> memref<1x128xi32, #tpu.memory_space<vmem>>
        %dma_wait3A_61 = tpu.memref_squeeze %dma_wait3A_60 : memref<1x128xi32, #tpu.memory_space<vmem>> -> memref<128xi32, #tpu.memory_space<vmem>>
        %dma_wait3A_62 = arith.constant 0 : i32
        %dma_wait3A_63 = tpu.memref_slice %arg3[%add3A_14, %dma_wait3A_62] : memref<2528x128xi32, #tpu.memory_space<hbm>> -> memref<1x128xi32, #tpu.memory_space<hbm>>
        %dma_wait3A_64 = tpu.memref_squeeze %dma_wait3A_63 : memref<1x128xi32, #tpu.memory_space<hbm>> -> memref<128xi32, #tpu.memory_space<hbm>>
        tpu.wait_dma2 semaphore(%run_scoped3A_40 : memref<!tpu.dma_semaphore, #tpu.memory_space<semaphore_mem>>) src(%dma_wait3A_64 : memref<128xi32, #tpu.memory_space<hbm>>) dst(%dma_wait3A_61 : memref<128xi32, #tpu.memory_space<vmem>>)
        tpu.yield
      }) : () -> ()
      %run_scoped3A_15 = arith.constant 0 : i32
      "tpu.region"() ({
        %run_scoped3A_40 = tpu.sem_alloc : memref<!tpu.dma_semaphore, #tpu.memory_space<semaphore_mem>>
        %dma_start3A_41 = arith.constant 0 : i32
        %dma_start3A_42 = tpu.memref_slice %arg9[%run_scoped3A_15, %dma_start3A_41] : memref<1x128xi32, #tpu.memory_space<vmem>> -> memref<1x128xi32, #tpu.memory_space<vmem>>
        %dma_start3A_43 = tpu.memref_squeeze %dma_start3A_42 : memref<1x128xi32, #tpu.memory_space<vmem>> -> memref<128xi32, #tpu.memory_space<vmem>>
        %dma_start3A_44 = arith.constant 0 : i32
        %dma_start3A_45 = tpu.memref_slice %arg4[%add3A_14, %dma_start3A_44] : memref<2528x128xi32, #tpu.memory_space<hbm>> -> memref<1x128xi32, #tpu.memory_space<hbm>>
        %dma_start3A_46 = tpu.memref_squeeze %dma_start3A_45 : memref<1x128xi32, #tpu.memory_space<hbm>> -> memref<128xi32, #tpu.memory_space<hbm>>
        %dma_start3A_47 = arith.constant 0 : i32
        %dma_start3A_48 = tpu.memref_slice %arg9[%run_scoped3A_15, %dma_start3A_47] : memref<1x128xi32, #tpu.memory_space<vmem>> -> memref<1x128xi32, #tpu.memory_space<vmem>>
        %dma_start3A_49 = tpu.memref_squeeze %dma_start3A_48 : memref<1x128xi32, #tpu.memory_space<vmem>> -> memref<128xi32, #tpu.memory_space<vmem>>
        %dma_start3A_50 = arith.constant 0 : i32
        %dma_start3A_51 = tpu.memref_slice %arg4[%add3A_14, %dma_start3A_50] : memref<2528x128xi32, #tpu.memory_space<hbm>> -> memref<1x128xi32, #tpu.memory_space<hbm>>
        %dma_start3A_52 = tpu.memref_squeeze %dma_start3A_51 : memref<1x128xi32, #tpu.memory_space<hbm>> -> memref<128xi32, #tpu.memory_space<hbm>>
        tpu.enqueue_dma source(%dma_start3A_52 : memref<128xi32, #tpu.memory_space<hbm>>) target(%dma_start3A_49 : memref<128xi32, #tpu.memory_space<vmem>>) target_semaphore(%run_scoped3A_40 : memref<!tpu.dma_semaphore, #tpu.memory_space<semaphore_mem>>)
        %dma_wait3A_53 = arith.constant 0 : i32
        %dma_wait3A_54 = tpu.memref_slice %arg9[%run_scoped3A_15, %dma_wait3A_53] : memref<1x128xi32, #tpu.memory_space<vmem>> -> memref<1x128xi32, #tpu.memory_space<vmem>>
        %dma_wait3A_55 = tpu.memref_squeeze %dma_wait3A_54 : memref<1x128xi32, #tpu.memory_space<vmem>> -> memref<128xi32, #tpu.memory_space<vmem>>
        %dma_wait3A_56 = arith.constant 0 : i32
        %dma_wait3A_57 = tpu.memref_slice %arg4[%add3A_14, %dma_wait3A_56] : memref<2528x128xi32, #tpu.memory_space<hbm>> -> memref<1x128xi32, #tpu.memory_space<hbm>>
        %dma_wait3A_58 = tpu.memref_squeeze %dma_wait3A_57 : memref<1x128xi32, #tpu.memory_space<hbm>> -> memref<128xi32, #tpu.memory_space<hbm>>
        %dma_wait3A_59 = arith.constant 0 : i32
        %dma_wait3A_60 = tpu.memref_slice %arg9[%run_scoped3A_15, %dma_wait3A_59] : memref<1x128xi32, #tpu.memory_space<vmem>> -> memref<1x128xi32, #tpu.memory_space<vmem>>
        %dma_wait3A_61 = tpu.memref_squeeze %dma_wait3A_60 : memref<1x128xi32, #tpu.memory_space<vmem>> -> memref<128xi32, #tpu.memory_space<vmem>>
        %dma_wait3A_62 = arith.constant 0 : i32
        %dma_wait3A_63 = tpu.memref_slice %arg4[%add3A_14, %dma_wait3A_62] : memref<2528x128xi32, #tpu.memory_space<hbm>> -> memref<1x128xi32, #tpu.memory_space<hbm>>
        %dma_wait3A_64 = tpu.memref_squeeze %dma_wait3A_63 : memref<1x128xi32, #tpu.memory_space<hbm>> -> memref<128xi32, #tpu.memory_space<hbm>>
        tpu.wait_dma2 semaphore(%run_scoped3A_40 : memref<!tpu.dma_semaphore, #tpu.memory_space<semaphore_mem>>) src(%dma_wait3A_64 : memref<128xi32, #tpu.memory_space<hbm>>) dst(%dma_wait3A_61 : memref<128xi32, #tpu.memory_space<vmem>>)
        tpu.yield
      }) : () -> ()
      %dma_start3A = arith.constant 0 : i32
      %dma_start3A_16 = arith.constant 0 : i32
      %dma_start3A_17 = arith.constant 0 : i32
      %dma_start3A_18 = arith.constant 0 : i32
      %dma_start3A_19 = tpu.memref_slice %arg10[%dma_start3A_16, %dma_start3A_17, %dma_start3A_18] : memref<1x128x128xf32, #tpu.memory_space<vmem>> -> memref<1x128x128xf32, #tpu.memory_space<vmem>>
      %dma_start3A_20 = tpu.memref_squeeze %dma_start3A_19 : memref<1x128x128xf32, #tpu.memory_space<vmem>> -> memref<128x128xf32, #tpu.memory_space<vmem>>
      %dma_start3A_21 = arith.constant 0 : i32
      %dma_start3A_22 = tpu.memref_slice %arg8[%dma_start3A, %dma_start3A_21] : memref<1x128xi32, #tpu.memory_space<vmem>> -> memref<1x128xi32, #tpu.memory_space<vmem>>
      %dma_start3A_23 = tpu.memref_squeeze %dma_start3A_22 : memref<1x128xi32, #tpu.memory_space<vmem>> -> memref<128xi32, #tpu.memory_space<vmem>>
      %dma_start3A_24 = arith.constant 0 : i32
      %dma_start3A_25 = arith.constant 0 : i32
      %dma_start3A_26 = tpu.memref_slice %arg2[%dma_start3A_24, %dma_start3A_25] : memref<10000x128xf32, #tpu.memory_space<hbm>> -> memref<10000x128xf32, #tpu.memory_space<hbm>>
      tpu.enqueue_indirect_dma source(%dma_start3A_26 : memref<10000x128xf32, #tpu.memory_space<hbm>>) target(%dma_start3A_20 : memref<128x128xf32, #tpu.memory_space<vmem>>) offsets(%dma_start3A_23 : memref<128xi32, #tpu.memory_space<vmem>>) semaphore(%arg11 : memref<!tpu.dma_semaphore, #tpu.memory_space<semaphore_mem>>)
      %dma_wait3A = arith.constant 0 : i32
      %dma_wait3A_27 = arith.constant 0 : i32
      %dma_wait3A_28 = arith.constant 0 : i32
      %dma_wait3A_29 = arith.constant 0 : i32
      %dma_wait3A_30 = tpu.memref_slice %arg10[%dma_wait3A_27, %dma_wait3A_28, %dma_wait3A_29] : memref<1x128x128xf32, #tpu.memory_space<vmem>> -> memref<1x128x128xf32, #tpu.memory_space<vmem>>
      %dma_wait3A_31 = tpu.memref_squeeze %dma_wait3A_30 : memref<1x128x128xf32, #tpu.memory_space<vmem>> -> memref<128x128xf32, #tpu.memory_space<vmem>>
      %dma_wait3A_32 = arith.constant 0 : i32
      %dma_wait3A_33 = tpu.memref_slice %arg8[%dma_wait3A, %dma_wait3A_32] : memref<1x128xi32, #tpu.memory_space<vmem>> -> memref<1x128xi32, #tpu.memory_space<vmem>>
      %dma_wait3A_34 = tpu.memref_squeeze %dma_wait3A_33 : memref<1x128xi32, #tpu.memory_space<vmem>> -> memref<128xi32, #tpu.memory_space<vmem>>
      %dma_wait3A_35 = arith.constant 0 : i32
      %dma_wait3A_36 = arith.constant 0 : i32
      %dma_wait3A_37 = tpu.memref_slice %arg2[%dma_wait3A_35, %dma_wait3A_36] : memref<10000x128xf32, #tpu.memory_space<hbm>> -> memref<10000x128xf32, #tpu.memory_space<hbm>>
      tpu.wait_indirect_dma semaphore(%arg11 : memref<!tpu.dma_semaphore, #tpu.memory_space<semaphore_mem>>) src(%dma_wait3A_37 : memref<10000x128xf32, #tpu.memory_space<hbm>>) dst(%dma_wait3A_31 : memref<128x128xf32, #tpu.memory_space<vmem>>)
      %run_scoped3A_38 = arith.constant 0 : i32
      %run_scoped3A_39 = arith.constant 0 : i32
      "tpu.region"() ({
        %run_scoped3A_40 = tpu.sem_alloc : memref<!tpu.dma_semaphore, #tpu.memory_space<semaphore_mem>>
        %dma_start3A_41 = arith.constant 0 : i32
        %dma_start3A_42 = arith.constant 0 : i32
        %dma_start3A_43 = tpu.memref_slice %arg10[%run_scoped3A_38, %dma_start3A_41, %dma_start3A_42] : memref<1x128x128xf32, #tpu.memory_space<vmem>> -> memref<1x128x128xf32, #tpu.memory_space<vmem>>
        %dma_start3A_44 = tpu.memref_squeeze %dma_start3A_43 : memref<1x128x128xf32, #tpu.memory_space<vmem>> -> memref<128x128xf32, #tpu.memory_space<vmem>>
        %dma_start3A_45 = arith.constant 0 : i32
        %dma_start3A_46 = tpu.memref_slice %arg9[%run_scoped3A_39, %dma_start3A_45] : memref<1x128xi32, #tpu.memory_space<vmem>> -> memref<1x128xi32, #tpu.memory_space<vmem>>
        %dma_start3A_47 = tpu.memref_squeeze %dma_start3A_46 : memref<1x128xi32, #tpu.memory_space<vmem>> -> memref<128xi32, #tpu.memory_space<vmem>>
        %dma_start3A_48 = arith.constant 0 : i32
        %dma_start3A_49 = arith.constant 0 : i32
        %dma_start3A_50 = tpu.memref_slice %arg7[%dma_start3A_48, %dma_start3A_49] : memref<10016x128xf32, #tpu.memory_space<vmem_shared>> -> memref<10016x128xf32, #tpu.memory_space<vmem_shared>>
        tpu.enqueue_indirect_dma source(%dma_start3A_44 : memref<128x128xf32, #tpu.memory_space<vmem>>) target(%dma_start3A_50 : memref<10016x128xf32, #tpu.memory_space<vmem_shared>>) offsets(%dma_start3A_47 : memref<128xi32, #tpu.memory_space<vmem>>) semaphore(%run_scoped3A_40 : memref<!tpu.dma_semaphore, #tpu.memory_space<semaphore_mem>>) {add = true}
        %dma_wait3A_51 = arith.constant 0 : i32
        %dma_wait3A_52 = arith.constant 0 : i32
        %dma_wait3A_53 = tpu.memref_slice %arg10[%run_scoped3A_38, %dma_wait3A_51, %dma_wait3A_52] : memref<1x128x128xf32, #tpu.memory_space<vmem>> -> memref<1x128x128xf32, #tpu.memory_space<vmem>>
        %dma_wait3A_54 = tpu.memref_squeeze %dma_wait3A_53 : memref<1x128x128xf32, #tpu.memory_space<vmem>> -> memref<128x128xf32, #tpu.memory_space<vmem>>
        %dma_wait3A_55 = arith.constant 0 : i32
        %dma_wait3A_56 = tpu.memref_slice %arg9[%run_scoped3A_39, %dma_wait3A_55] : memref<1x128xi32, #tpu.memory_space<vmem>> -> memref<1x128xi32, #tpu.memory_space<vmem>>
        %dma_wait3A_57 = tpu.memref_squeeze %dma_wait3A_56 : memref<1x128xi32, #tpu.memory_space<vmem>> -> memref<128xi32, #tpu.memory_space<vmem>>
        %dma_wait3A_58 = arith.constant 0 : i32
        %dma_wait3A_59 = arith.constant 0 : i32
        %dma_wait3A_60 = tpu.memref_slice %arg7[%dma_wait3A_58, %dma_wait3A_59] : memref<10016x128xf32, #tpu.memory_space<vmem_shared>> -> memref<10016x128xf32, #tpu.memory_space<vmem_shared>>
        tpu.wait_indirect_dma semaphore(%run_scoped3A_40 : memref<!tpu.dma_semaphore, #tpu.memory_space<semaphore_mem>>) src(%dma_wait3A_54 : memref<128x128xf32, #tpu.memory_space<vmem>>) dst(%dma_wait3A_60 : memref<10016x128xf32, #tpu.memory_space<vmem_shared>>)
        tpu.yield
      }) : () -> ()
    }
    %scan3A_7 = arith.constant 79 : i32
    %barrier3A_8 = arith.constant 0 : index
    tpu.barrier barrier_id(%barrier3A_8)
    %mul3A_9 = arith.constant 626 : i32
    %mul3A_10 = arith.muli %arg1, %mul3A_9 : i32
    "tpu.region"() ({
      %run_scoped3A = tpu.sem_alloc : memref<!tpu.dma_semaphore, #tpu.memory_space<semaphore_mem>>
      %dma_start3A = arith.constant 0 : i32
      %dma_start3A_11 = arith.constant 0 : i32
      %dma_start3A_12 = tpu.memref_slice %arg6[%arg0, %arg1, %dma_start3A, %dma_start3A_11] : memref<2x16x626x128xf32, #tpu.memory_space<hbm>> -> memref<1x1x626x128xf32, #tpu.memory_space<hbm>>
      %dma_start3A_13 = tpu.memref_squeeze %dma_start3A_12 : memref<1x1x626x128xf32, #tpu.memory_space<hbm>> -> memref<626x128xf32, #tpu.memory_space<hbm>>
      %dma_start3A_14 = arith.constant 0 : i32
      %dma_start3A_15 = tpu.memref_slice %arg7[%mul3A_10, %dma_start3A_14] : memref<10016x128xf32, #tpu.memory_space<vmem_shared>> -> memref<626x128xf32, #tpu.memory_space<vmem_shared>>
      tpu.enqueue_dma source(%dma_start3A_15 : memref<626x128xf32, #tpu.memory_space<vmem_shared>>) target(%dma_start3A_13 : memref<626x128xf32, #tpu.memory_space<hbm>>) target_semaphore(%run_scoped3A : memref<!tpu.dma_semaphore, #tpu.memory_space<semaphore_mem>>)
      %dma_wait3A = arith.constant 0 : i32
      %dma_wait3A_16 = arith.constant 0 : i32
      %dma_wait3A_17 = tpu.memref_slice %arg6[%arg0, %arg1, %dma_wait3A, %dma_wait3A_16] : memref<2x16x626x128xf32, #tpu.memory_space<hbm>> -> memref<1x1x626x128xf32, #tpu.memory_space<hbm>>
      %dma_wait3A_18 = tpu.memref_squeeze %dma_wait3A_17 : memref<1x1x626x128xf32, #tpu.memory_space<hbm>> -> memref<626x128xf32, #tpu.memory_space<hbm>>
      %dma_wait3A_19 = arith.constant 0 : i32
      %dma_wait3A_20 = tpu.memref_slice %arg7[%mul3A_10, %dma_wait3A_19] : memref<10016x128xf32, #tpu.memory_space<vmem_shared>> -> memref<626x128xf32, #tpu.memory_space<vmem_shared>>
      tpu.wait_dma2 semaphore(%run_scoped3A : memref<!tpu.dma_semaphore, #tpu.memory_space<semaphore_mem>>) src(%dma_wait3A_20 : memref<626x128xf32, #tpu.memory_space<vmem_shared>>) dst(%dma_wait3A_18 : memref<626x128xf32, #tpu.memory_space<hbm>>)
      tpu.yield
    }) : () -> ()
    return
  }
}

#map = affine_map<(d0, d1) -> (0, 0)>
#map1 = affine_map<(d0, d1) -> (0, 0, 0, 0)>
module attributes {stable_mosaic.version = 14 : i64} {
  func.func @_deg_kernel_body(%arg0: i32, %arg1: i32, %arg2: memref<2528x128xi32, #tpu.memory_space<hbm>>, %arg3: memref<128x128xf32, #tpu.memory_space<hbm>>, %arg4: memref<626x128xf32, #tpu.memory_space<hbm>>, %arg5: memref<2x16x626x128xf32, #tpu.memory_space<hbm>>, %arg6: memref<10016x128xf32, #tpu.memory_space<vmem_shared>>, %arg7: memref<1x128xi32, #tpu.memory_space<vmem>>, %arg8: memref<128x128xf32, #tpu.memory_space<vmem>>) attributes {dimension_semantics = [#tpu.dimension_semantics<core_parallel>, #tpu.dimension_semantics<subcore_parallel>], iteration_bounds = array<i64: 2, 16>, scalar_prefetch = 0 : i64, scratch_operands = 3 : i64, tpu.core_type = #tpu.core_type<sc_vector_subcore>, window_params = [{transform_indices = #map}, {transform_indices = #map}, {transform_indices = #map}, {transform_indices = #map1}]} {
    %mul3A = arith.constant 16 : i32
    %mul3A_0 = arith.muli %arg0, %mul3A : i32
    %add3A = arith.addi %mul3A_0, %arg1 : i32
    "tpu.region"() ({
      %run_scoped3A = tpu.sem_alloc : memref<!tpu.dma_semaphore, #tpu.memory_space<semaphore_mem>>
      tpu.enqueue_dma source(%arg3 : memref<128x128xf32, #tpu.memory_space<hbm>>) target(%arg8 : memref<128x128xf32, #tpu.memory_space<vmem>>) target_semaphore(%run_scoped3A : memref<!tpu.dma_semaphore, #tpu.memory_space<semaphore_mem>>)
      tpu.wait_dma2 semaphore(%run_scoped3A : memref<!tpu.dma_semaphore, #tpu.memory_space<semaphore_mem>>) src(%arg3 : memref<128x128xf32, #tpu.memory_space<hbm>>) dst(%arg8 : memref<128x128xf32, #tpu.memory_space<vmem>>)
      tpu.yield
    }) : () -> ()
    %mul3A_1 = arith.constant 626 : i32
    %mul3A_2 = arith.muli %arg1, %mul3A_1 : i32
    "tpu.region"() ({
      %run_scoped3A = tpu.sem_alloc : memref<!tpu.dma_semaphore, #tpu.memory_space<semaphore_mem>>
      %dma_start3A = arith.constant 0 : i32
      %dma_start3A_11 = tpu.memref_slice %arg6[%mul3A_2, %dma_start3A] : memref<10016x128xf32, #tpu.memory_space<vmem_shared>> -> memref<626x128xf32, #tpu.memory_space<vmem_shared>>
      tpu.enqueue_dma source(%arg4 : memref<626x128xf32, #tpu.memory_space<hbm>>) target(%dma_start3A_11 : memref<626x128xf32, #tpu.memory_space<vmem_shared>>) target_semaphore(%run_scoped3A : memref<!tpu.dma_semaphore, #tpu.memory_space<semaphore_mem>>)
      %dma_wait3A = arith.constant 0 : i32
      %dma_wait3A_12 = tpu.memref_slice %arg6[%mul3A_2, %dma_wait3A] : memref<10016x128xf32, #tpu.memory_space<vmem_shared>> -> memref<626x128xf32, #tpu.memory_space<vmem_shared>>
      tpu.wait_dma2 semaphore(%run_scoped3A : memref<!tpu.dma_semaphore, #tpu.memory_space<semaphore_mem>>) src(%arg4 : memref<626x128xf32, #tpu.memory_space<hbm>>) dst(%dma_wait3A_12 : memref<626x128xf32, #tpu.memory_space<vmem_shared>>)
      tpu.yield
    }) : () -> ()
    %barrier3A = arith.constant 0 : index
    tpu.barrier barrier_id(%barrier3A)
    %scan3A = arith.constant 0 : i32
    %scan3A_3 = arith.constant 0 : i32
    %scan3A_4 = arith.constant 79 : i32
    %scan3A_5 = arith.addi %scan3A_3, %scan3A_4 : i32
    %scan3A_6 = arith.constant 1 : i32
    scf.for %scan3A_11 = %scan3A_3 to %scan3A_5 step %scan3A_6  : i32 {
      %mul3A_12 = arith.constant 79 : i32
      %mul3A_13 = arith.muli %add3A, %mul3A_12 : i32
      %add3A_14 = arith.addi %mul3A_13, %scan3A_11 : i32
      %run_scoped3A = arith.constant 0 : i32
      "tpu.region"() ({
        %run_scoped3A_16 = tpu.sem_alloc : memref<!tpu.dma_semaphore, #tpu.memory_space<semaphore_mem>>
        %dma_start3A = arith.constant 0 : i32
        %dma_start3A_17 = tpu.memref_slice %arg7[%run_scoped3A, %dma_start3A] : memref<1x128xi32, #tpu.memory_space<vmem>> -> memref<1x128xi32, #tpu.memory_space<vmem>>
        %dma_start3A_18 = tpu.memref_squeeze %dma_start3A_17 : memref<1x128xi32, #tpu.memory_space<vmem>> -> memref<128xi32, #tpu.memory_space<vmem>>
        %dma_start3A_19 = arith.constant 0 : i32
        %dma_start3A_20 = tpu.memref_slice %arg2[%add3A_14, %dma_start3A_19] : memref<2528x128xi32, #tpu.memory_space<hbm>> -> memref<1x128xi32, #tpu.memory_space<hbm>>
        %dma_start3A_21 = tpu.memref_squeeze %dma_start3A_20 : memref<1x128xi32, #tpu.memory_space<hbm>> -> memref<128xi32, #tpu.memory_space<hbm>>
        %dma_start3A_22 = arith.constant 0 : i32
        %dma_start3A_23 = tpu.memref_slice %arg7[%run_scoped3A, %dma_start3A_22] : memref<1x128xi32, #tpu.memory_space<vmem>> -> memref<1x128xi32, #tpu.memory_space<vmem>>
        %dma_start3A_24 = tpu.memref_squeeze %dma_start3A_23 : memref<1x128xi32, #tpu.memory_space<vmem>> -> memref<128xi32, #tpu.memory_space<vmem>>
        %dma_start3A_25 = arith.constant 0 : i32
        %dma_start3A_26 = tpu.memref_slice %arg2[%add3A_14, %dma_start3A_25] : memref<2528x128xi32, #tpu.memory_space<hbm>> -> memref<1x128xi32, #tpu.memory_space<hbm>>
        %dma_start3A_27 = tpu.memref_squeeze %dma_start3A_26 : memref<1x128xi32, #tpu.memory_space<hbm>> -> memref<128xi32, #tpu.memory_space<hbm>>
        tpu.enqueue_dma source(%dma_start3A_27 : memref<128xi32, #tpu.memory_space<hbm>>) target(%dma_start3A_24 : memref<128xi32, #tpu.memory_space<vmem>>) target_semaphore(%run_scoped3A_16 : memref<!tpu.dma_semaphore, #tpu.memory_space<semaphore_mem>>)
        %dma_wait3A = arith.constant 0 : i32
        %dma_wait3A_28 = tpu.memref_slice %arg7[%run_scoped3A, %dma_wait3A] : memref<1x128xi32, #tpu.memory_space<vmem>> -> memref<1x128xi32, #tpu.memory_space<vmem>>
        %dma_wait3A_29 = tpu.memref_squeeze %dma_wait3A_28 : memref<1x128xi32, #tpu.memory_space<vmem>> -> memref<128xi32, #tpu.memory_space<vmem>>
        %dma_wait3A_30 = arith.constant 0 : i32
        %dma_wait3A_31 = tpu.memref_slice %arg2[%add3A_14, %dma_wait3A_30] : memref<2528x128xi32, #tpu.memory_space<hbm>> -> memref<1x128xi32, #tpu.memory_space<hbm>>
        %dma_wait3A_32 = tpu.memref_squeeze %dma_wait3A_31 : memref<1x128xi32, #tpu.memory_space<hbm>> -> memref<128xi32, #tpu.memory_space<hbm>>
        %dma_wait3A_33 = arith.constant 0 : i32
        %dma_wait3A_34 = tpu.memref_slice %arg7[%run_scoped3A, %dma_wait3A_33] : memref<1x128xi32, #tpu.memory_space<vmem>> -> memref<1x128xi32, #tpu.memory_space<vmem>>
        %dma_wait3A_35 = tpu.memref_squeeze %dma_wait3A_34 : memref<1x128xi32, #tpu.memory_space<vmem>> -> memref<128xi32, #tpu.memory_space<vmem>>
        %dma_wait3A_36 = arith.constant 0 : i32
        %dma_wait3A_37 = tpu.memref_slice %arg2[%add3A_14, %dma_wait3A_36] : memref<2528x128xi32, #tpu.memory_space<hbm>> -> memref<1x128xi32, #tpu.memory_space<hbm>>
        %dma_wait3A_38 = tpu.memref_squeeze %dma_wait3A_37 : memref<1x128xi32, #tpu.memory_space<hbm>> -> memref<128xi32, #tpu.memory_space<hbm>>
        tpu.wait_dma2 semaphore(%run_scoped3A_16 : memref<!tpu.dma_semaphore, #tpu.memory_space<semaphore_mem>>) src(%dma_wait3A_38 : memref<128xi32, #tpu.memory_space<hbm>>) dst(%dma_wait3A_35 : memref<128xi32, #tpu.memory_space<vmem>>)
        tpu.yield
      }) : () -> ()
      %run_scoped3A_15 = arith.constant 0 : i32
      "tpu.region"() ({
        %run_scoped3A_16 = tpu.sem_alloc : memref<!tpu.dma_semaphore, #tpu.memory_space<semaphore_mem>>
        %dma_start3A = arith.constant 0 : i32
        %dma_start3A_17 = tpu.memref_slice %arg7[%run_scoped3A_15, %dma_start3A] : memref<1x128xi32, #tpu.memory_space<vmem>> -> memref<1x128xi32, #tpu.memory_space<vmem>>
        %dma_start3A_18 = tpu.memref_squeeze %dma_start3A_17 : memref<1x128xi32, #tpu.memory_space<vmem>> -> memref<128xi32, #tpu.memory_space<vmem>>
        %dma_start3A_19 = arith.constant 0 : i32
        %dma_start3A_20 = arith.constant 0 : i32
        %dma_start3A_21 = tpu.memref_slice %arg6[%dma_start3A_19, %dma_start3A_20] : memref<10016x128xf32, #tpu.memory_space<vmem_shared>> -> memref<10016x128xf32, #tpu.memory_space<vmem_shared>>
        tpu.enqueue_indirect_dma source(%arg8 : memref<128x128xf32, #tpu.memory_space<vmem>>) target(%dma_start3A_21 : memref<10016x128xf32, #tpu.memory_space<vmem_shared>>) offsets(%dma_start3A_18 : memref<128xi32, #tpu.memory_space<vmem>>) semaphore(%run_scoped3A_16 : memref<!tpu.dma_semaphore, #tpu.memory_space<semaphore_mem>>) {add = true}
        %dma_wait3A = arith.constant 0 : i32
        %dma_wait3A_22 = tpu.memref_slice %arg7[%run_scoped3A_15, %dma_wait3A] : memref<1x128xi32, #tpu.memory_space<vmem>> -> memref<1x128xi32, #tpu.memory_space<vmem>>
        %dma_wait3A_23 = tpu.memref_squeeze %dma_wait3A_22 : memref<1x128xi32, #tpu.memory_space<vmem>> -> memref<128xi32, #tpu.memory_space<vmem>>
        %dma_wait3A_24 = arith.constant 0 : i32
        %dma_wait3A_25 = arith.constant 0 : i32
        %dma_wait3A_26 = tpu.memref_slice %arg6[%dma_wait3A_24, %dma_wait3A_25] : memref<10016x128xf32, #tpu.memory_space<vmem_shared>> -> memref<10016x128xf32, #tpu.memory_space<vmem_shared>>
        tpu.wait_indirect_dma semaphore(%run_scoped3A_16 : memref<!tpu.dma_semaphore, #tpu.memory_space<semaphore_mem>>) src(%arg8 : memref<128x128xf32, #tpu.memory_space<vmem>>) dst(%dma_wait3A_26 : memref<10016x128xf32, #tpu.memory_space<vmem_shared>>)
        tpu.yield
      }) : () -> ()
    }
    %scan3A_7 = arith.constant 79 : i32
    %barrier3A_8 = arith.constant 0 : index
    tpu.barrier barrier_id(%barrier3A_8)
    %mul3A_9 = arith.constant 626 : i32
    %mul3A_10 = arith.muli %arg1, %mul3A_9 : i32
    "tpu.region"() ({
      %run_scoped3A = tpu.sem_alloc : memref<!tpu.dma_semaphore, #tpu.memory_space<semaphore_mem>>
      %dma_start3A = arith.constant 0 : i32
      %dma_start3A_11 = arith.constant 0 : i32
      %dma_start3A_12 = tpu.memref_slice %arg5[%arg0, %arg1, %dma_start3A, %dma_start3A_11] : memref<2x16x626x128xf32, #tpu.memory_space<hbm>> -> memref<1x1x626x128xf32, #tpu.memory_space<hbm>>
      %dma_start3A_13 = tpu.memref_squeeze %dma_start3A_12 : memref<1x1x626x128xf32, #tpu.memory_space<hbm>> -> memref<626x128xf32, #tpu.memory_space<hbm>>
      %dma_start3A_14 = arith.constant 0 : i32
      %dma_start3A_15 = tpu.memref_slice %arg6[%mul3A_10, %dma_start3A_14] : memref<10016x128xf32, #tpu.memory_space<vmem_shared>> -> memref<626x128xf32, #tpu.memory_space<vmem_shared>>
      tpu.enqueue_dma source(%dma_start3A_15 : memref<626x128xf32, #tpu.memory_space<vmem_shared>>) target(%dma_start3A_13 : memref<626x128xf32, #tpu.memory_space<hbm>>) target_semaphore(%run_scoped3A : memref<!tpu.dma_semaphore, #tpu.memory_space<semaphore_mem>>)
      %dma_wait3A = arith.constant 0 : i32
      %dma_wait3A_16 = arith.constant 0 : i32
      %dma_wait3A_17 = tpu.memref_slice %arg5[%arg0, %arg1, %dma_wait3A, %dma_wait3A_16] : memref<2x16x626x128xf32, #tpu.memory_space<hbm>> -> memref<1x1x626x128xf32, #tpu.memory_space<hbm>>
      %dma_wait3A_18 = tpu.memref_squeeze %dma_wait3A_17 : memref<1x1x626x128xf32, #tpu.memory_space<hbm>> -> memref<626x128xf32, #tpu.memory_space<hbm>>
      %dma_wait3A_19 = arith.constant 0 : i32
      %dma_wait3A_20 = tpu.memref_slice %arg6[%mul3A_10, %dma_wait3A_19] : memref<10016x128xf32, #tpu.memory_space<vmem_shared>> -> memref<626x128xf32, #tpu.memory_space<vmem_shared>>
      tpu.wait_dma2 semaphore(%run_scoped3A : memref<!tpu.dma_semaphore, #tpu.memory_space<semaphore_mem>>) src(%dma_wait3A_20 : memref<626x128xf32, #tpu.memory_space<vmem_shared>>) dst(%dma_wait3A_18 : memref<626x128xf32, #tpu.memory_space<hbm>>)
      tpu.yield
    }) : () -> ()
    return
  }
}

#map = affine_map<(d0, d1) -> (0, 0)>
#map1 = affine_map<(d0, d1) -> (0, 0, 0, 0)>
module attributes {stable_mosaic.version = 14 : i64} {
  func.func @_scatter_kernel_body(%arg0: i32, %arg1: i32, %arg2: memref<10000x128xf32, #tpu.memory_space<hbm>>, %arg3: memref<2528x128xi32, #tpu.memory_space<hbm>>, %arg4: memref<2528x128xi32, #tpu.memory_space<hbm>>, %arg5: memref<626x128xf32, #tpu.memory_space<hbm>>, %arg6: memref<2x16x626x128xf32, #tpu.memory_space<hbm>>, %arg7: memref<10016x128xf32, #tpu.memory_space<vmem_shared>>, %arg8: memref<1x128xi32, #tpu.memory_space<vmem>>, %arg9: memref<1x128xi32, #tpu.memory_space<vmem>>, %arg10: memref<1x128x128xf32, #tpu.memory_space<vmem>>, %arg11: memref<!tpu.dma_semaphore, #tpu.memory_space<semaphore_mem>>) attributes {dimension_semantics = [#tpu.dimension_semantics<core_parallel>, #tpu.dimension_semantics<subcore_parallel>], iteration_bounds = array<i64: 2, 16>, scalar_prefetch = 0 : i64, scratch_operands = 5 : i64, tpu.core_type = #tpu.core_type<sc_vector_subcore>, window_params = [{transform_indices = #map}, {transform_indices = #map}, {transform_indices = #map}, {transform_indices = #map}, {transform_indices = #map1}]} {
    %mul3A = arith.constant 16 : i32
    %mul3A_0 = arith.muli %arg0, %mul3A : i32
    %add3A = arith.addi %mul3A_0, %arg1 : i32
    %mul3A_1 = arith.constant 626 : i32
    %mul3A_2 = arith.muli %arg1, %mul3A_1 : i32
    "tpu.region"() ({
      %run_scoped3A = tpu.sem_alloc : memref<!tpu.dma_semaphore, #tpu.memory_space<semaphore_mem>>
      %dma_start3A = arith.constant 0 : i32
      %dma_start3A_11 = tpu.memref_slice %arg7[%mul3A_2, %dma_start3A] : memref<10016x128xf32, #tpu.memory_space<vmem_shared>> -> memref<626x128xf32, #tpu.memory_space<vmem_shared>>
      tpu.enqueue_dma source(%arg5 : memref<626x128xf32, #tpu.memory_space<hbm>>) target(%dma_start3A_11 : memref<626x128xf32, #tpu.memory_space<vmem_shared>>) target_semaphore(%run_scoped3A : memref<!tpu.dma_semaphore, #tpu.memory_space<semaphore_mem>>)
      %dma_wait3A = arith.constant 0 : i32
      %dma_wait3A_12 = tpu.memref_slice %arg7[%mul3A_2, %dma_wait3A] : memref<10016x128xf32, #tpu.memory_space<vmem_shared>> -> memref<626x128xf32, #tpu.memory_space<vmem_shared>>
      tpu.wait_dma2 semaphore(%run_scoped3A : memref<!tpu.dma_semaphore, #tpu.memory_space<semaphore_mem>>) src(%arg5 : memref<626x128xf32, #tpu.memory_space<hbm>>) dst(%dma_wait3A_12 : memref<626x128xf32, #tpu.memory_space<vmem_shared>>)
      tpu.yield
    }) : () -> ()
    %barrier3A = arith.constant 0 : index
    tpu.barrier barrier_id(%barrier3A)
    %scan3A = arith.constant 0 : i32
    %scan3A_3 = arith.constant 0 : i32
    %scan3A_4 = arith.constant 79 : i32
    %scan3A_5 = arith.addi %scan3A_3, %scan3A_4 : i32
    %scan3A_6 = arith.constant 1 : i32
    scf.for %scan3A_11 = %scan3A_3 to %scan3A_5 step %scan3A_6  : i32 {
      %mul3A_12 = arith.constant 79 : i32
      %mul3A_13 = arith.muli %add3A, %mul3A_12 : i32
      %add3A_14 = arith.addi %mul3A_13, %scan3A_11 : i32
      %run_scoped3A = arith.constant 0 : i32
      "tpu.region"() ({
        %run_scoped3A_40 = tpu.sem_alloc : memref<!tpu.dma_semaphore, #tpu.memory_space<semaphore_mem>>
        %dma_start3A_41 = arith.constant 0 : i32
        %dma_start3A_42 = tpu.memref_slice %arg8[%run_scoped3A, %dma_start3A_41] : memref<1x128xi32, #tpu.memory_space<vmem>> -> memref<1x128xi32, #tpu.memory_space<vmem>>
        %dma_start3A_43 = tpu.memref_squeeze %dma_start3A_42 : memref<1x128xi32, #tpu.memory_space<vmem>> -> memref<128xi32, #tpu.memory_space<vmem>>
        %dma_start3A_44 = arith.constant 0 : i32
        %dma_start3A_45 = tpu.memref_slice %arg3[%add3A_14, %dma_start3A_44] : memref<2528x128xi32, #tpu.memory_space<hbm>> -> memref<1x128xi32, #tpu.memory_space<hbm>>
        %dma_start3A_46 = tpu.memref_squeeze %dma_start3A_45 : memref<1x128xi32, #tpu.memory_space<hbm>> -> memref<128xi32, #tpu.memory_space<hbm>>
        %dma_start3A_47 = arith.constant 0 : i32
        %dma_start3A_48 = tpu.memref_slice %arg8[%run_scoped3A, %dma_start3A_47] : memref<1x128xi32, #tpu.memory_space<vmem>> -> memref<1x128xi32, #tpu.memory_space<vmem>>
        %dma_start3A_49 = tpu.memref_squeeze %dma_start3A_48 : memref<1x128xi32, #tpu.memory_space<vmem>> -> memref<128xi32, #tpu.memory_space<vmem>>
        %dma_start3A_50 = arith.constant 0 : i32
        %dma_start3A_51 = tpu.memref_slice %arg3[%add3A_14, %dma_start3A_50] : memref<2528x128xi32, #tpu.memory_space<hbm>> -> memref<1x128xi32, #tpu.memory_space<hbm>>
        %dma_start3A_52 = tpu.memref_squeeze %dma_start3A_51 : memref<1x128xi32, #tpu.memory_space<hbm>> -> memref<128xi32, #tpu.memory_space<hbm>>
        tpu.enqueue_dma source(%dma_start3A_52 : memref<128xi32, #tpu.memory_space<hbm>>) target(%dma_start3A_49 : memref<128xi32, #tpu.memory_space<vmem>>) target_semaphore(%run_scoped3A_40 : memref<!tpu.dma_semaphore, #tpu.memory_space<semaphore_mem>>)
        %dma_wait3A_53 = arith.constant 0 : i32
        %dma_wait3A_54 = tpu.memref_slice %arg8[%run_scoped3A, %dma_wait3A_53] : memref<1x128xi32, #tpu.memory_space<vmem>> -> memref<1x128xi32, #tpu.memory_space<vmem>>
        %dma_wait3A_55 = tpu.memref_squeeze %dma_wait3A_54 : memref<1x128xi32, #tpu.memory_space<vmem>> -> memref<128xi32, #tpu.memory_space<vmem>>
        %dma_wait3A_56 = arith.constant 0 : i32
        %dma_wait3A_57 = tpu.memref_slice %arg3[%add3A_14, %dma_wait3A_56] : memref<2528x128xi32, #tpu.memory_space<hbm>> -> memref<1x128xi32, #tpu.memory_space<hbm>>
        %dma_wait3A_58 = tpu.memref_squeeze %dma_wait3A_57 : memref<1x128xi32, #tpu.memory_space<hbm>> -> memref<128xi32, #tpu.memory_space<hbm>>
        %dma_wait3A_59 = arith.constant 0 : i32
        %dma_wait3A_60 = tpu.memref_slice %arg8[%run_scoped3A, %dma_wait3A_59] : memref<1x128xi32, #tpu.memory_space<vmem>> -> memref<1x128xi32, #tpu.memory_space<vmem>>
        %dma_wait3A_61 = tpu.memref_squeeze %dma_wait3A_60 : memref<1x128xi32, #tpu.memory_space<vmem>> -> memref<128xi32, #tpu.memory_space<vmem>>
        %dma_wait3A_62 = arith.constant 0 : i32
        %dma_wait3A_63 = tpu.memref_slice %arg3[%add3A_14, %dma_wait3A_62] : memref<2528x128xi32, #tpu.memory_space<hbm>> -> memref<1x128xi32, #tpu.memory_space<hbm>>
        %dma_wait3A_64 = tpu.memref_squeeze %dma_wait3A_63 : memref<1x128xi32, #tpu.memory_space<hbm>> -> memref<128xi32, #tpu.memory_space<hbm>>
        tpu.wait_dma2 semaphore(%run_scoped3A_40 : memref<!tpu.dma_semaphore, #tpu.memory_space<semaphore_mem>>) src(%dma_wait3A_64 : memref<128xi32, #tpu.memory_space<hbm>>) dst(%dma_wait3A_61 : memref<128xi32, #tpu.memory_space<vmem>>)
        tpu.yield
      }) : () -> ()
      %run_scoped3A_15 = arith.constant 0 : i32
      "tpu.region"() ({
        %run_scoped3A_40 = tpu.sem_alloc : memref<!tpu.dma_semaphore, #tpu.memory_space<semaphore_mem>>
        %dma_start3A_41 = arith.constant 0 : i32
        %dma_start3A_42 = tpu.memref_slice %arg9[%run_scoped3A_15, %dma_start3A_41] : memref<1x128xi32, #tpu.memory_space<vmem>> -> memref<1x128xi32, #tpu.memory_space<vmem>>
        %dma_start3A_43 = tpu.memref_squeeze %dma_start3A_42 : memref<1x128xi32, #tpu.memory_space<vmem>> -> memref<128xi32, #tpu.memory_space<vmem>>
        %dma_start3A_44 = arith.constant 0 : i32
        %dma_start3A_45 = tpu.memref_slice %arg4[%add3A_14, %dma_start3A_44] : memref<2528x128xi32, #tpu.memory_space<hbm>> -> memref<1x128xi32, #tpu.memory_space<hbm>>
        %dma_start3A_46 = tpu.memref_squeeze %dma_start3A_45 : memref<1x128xi32, #tpu.memory_space<hbm>> -> memref<128xi32, #tpu.memory_space<hbm>>
        %dma_start3A_47 = arith.constant 0 : i32
        %dma_start3A_48 = tpu.memref_slice %arg9[%run_scoped3A_15, %dma_start3A_47] : memref<1x128xi32, #tpu.memory_space<vmem>> -> memref<1x128xi32, #tpu.memory_space<vmem>>
        %dma_start3A_49 = tpu.memref_squeeze %dma_start3A_48 : memref<1x128xi32, #tpu.memory_space<vmem>> -> memref<128xi32, #tpu.memory_space<vmem>>
        %dma_start3A_50 = arith.constant 0 : i32
        %dma_start3A_51 = tpu.memref_slice %arg4[%add3A_14, %dma_start3A_50] : memref<2528x128xi32, #tpu.memory_space<hbm>> -> memref<1x128xi32, #tpu.memory_space<hbm>>
        %dma_start3A_52 = tpu.memref_squeeze %dma_start3A_51 : memref<1x128xi32, #tpu.memory_space<hbm>> -> memref<128xi32, #tpu.memory_space<hbm>>
        tpu.enqueue_dma source(%dma_start3A_52 : memref<128xi32, #tpu.memory_space<hbm>>) target(%dma_start3A_49 : memref<128xi32, #tpu.memory_space<vmem>>) target_semaphore(%run_scoped3A_40 : memref<!tpu.dma_semaphore, #tpu.memory_space<semaphore_mem>>)
        %dma_wait3A_53 = arith.constant 0 : i32
        %dma_wait3A_54 = tpu.memref_slice %arg9[%run_scoped3A_15, %dma_wait3A_53] : memref<1x128xi32, #tpu.memory_space<vmem>> -> memref<1x128xi32, #tpu.memory_space<vmem>>
        %dma_wait3A_55 = tpu.memref_squeeze %dma_wait3A_54 : memref<1x128xi32, #tpu.memory_space<vmem>> -> memref<128xi32, #tpu.memory_space<vmem>>
        %dma_wait3A_56 = arith.constant 0 : i32
        %dma_wait3A_57 = tpu.memref_slice %arg4[%add3A_14, %dma_wait3A_56] : memref<2528x128xi32, #tpu.memory_space<hbm>> -> memref<1x128xi32, #tpu.memory_space<hbm>>
        %dma_wait3A_58 = tpu.memref_squeeze %dma_wait3A_57 : memref<1x128xi32, #tpu.memory_space<hbm>> -> memref<128xi32, #tpu.memory_space<hbm>>
        %dma_wait3A_59 = arith.constant 0 : i32
        %dma_wait3A_60 = tpu.memref_slice %arg9[%run_scoped3A_15, %dma_wait3A_59] : memref<1x128xi32, #tpu.memory_space<vmem>> -> memref<1x128xi32, #tpu.memory_space<vmem>>
        %dma_wait3A_61 = tpu.memref_squeeze %dma_wait3A_60 : memref<1x128xi32, #tpu.memory_space<vmem>> -> memref<128xi32, #tpu.memory_space<vmem>>
        %dma_wait3A_62 = arith.constant 0 : i32
        %dma_wait3A_63 = tpu.memref_slice %arg4[%add3A_14, %dma_wait3A_62] : memref<2528x128xi32, #tpu.memory_space<hbm>> -> memref<1x128xi32, #tpu.memory_space<hbm>>
        %dma_wait3A_64 = tpu.memref_squeeze %dma_wait3A_63 : memref<1x128xi32, #tpu.memory_space<hbm>> -> memref<128xi32, #tpu.memory_space<hbm>>
        tpu.wait_dma2 semaphore(%run_scoped3A_40 : memref<!tpu.dma_semaphore, #tpu.memory_space<semaphore_mem>>) src(%dma_wait3A_64 : memref<128xi32, #tpu.memory_space<hbm>>) dst(%dma_wait3A_61 : memref<128xi32, #tpu.memory_space<vmem>>)
        tpu.yield
      }) : () -> ()
      %dma_start3A = arith.constant 0 : i32
      %dma_start3A_16 = arith.constant 0 : i32
      %dma_start3A_17 = arith.constant 0 : i32
      %dma_start3A_18 = arith.constant 0 : i32
      %dma_start3A_19 = tpu.memref_slice %arg10[%dma_start3A_16, %dma_start3A_17, %dma_start3A_18] : memref<1x128x128xf32, #tpu.memory_space<vmem>> -> memref<1x128x128xf32, #tpu.memory_space<vmem>>
      %dma_start3A_20 = tpu.memref_squeeze %dma_start3A_19 : memref<1x128x128xf32, #tpu.memory_space<vmem>> -> memref<128x128xf32, #tpu.memory_space<vmem>>
      %dma_start3A_21 = arith.constant 0 : i32
      %dma_start3A_22 = tpu.memref_slice %arg8[%dma_start3A, %dma_start3A_21] : memref<1x128xi32, #tpu.memory_space<vmem>> -> memref<1x128xi32, #tpu.memory_space<vmem>>
      %dma_start3A_23 = tpu.memref_squeeze %dma_start3A_22 : memref<1x128xi32, #tpu.memory_space<vmem>> -> memref<128xi32, #tpu.memory_space<vmem>>
      %dma_start3A_24 = arith.constant 0 : i32
      %dma_start3A_25 = arith.constant 0 : i32
      %dma_start3A_26 = tpu.memref_slice %arg2[%dma_start3A_24, %dma_start3A_25] : memref<10000x128xf32, #tpu.memory_space<hbm>> -> memref<10000x128xf32, #tpu.memory_space<hbm>>
      tpu.enqueue_indirect_dma source(%dma_start3A_26 : memref<10000x128xf32, #tpu.memory_space<hbm>>) target(%dma_start3A_20 : memref<128x128xf32, #tpu.memory_space<vmem>>) offsets(%dma_start3A_23 : memref<128xi32, #tpu.memory_space<vmem>>) semaphore(%arg11 : memref<!tpu.dma_semaphore, #tpu.memory_space<semaphore_mem>>)
      %dma_wait3A = arith.constant 0 : i32
      %dma_wait3A_27 = arith.constant 0 : i32
      %dma_wait3A_28 = arith.constant 0 : i32
      %dma_wait3A_29 = arith.constant 0 : i32
      %dma_wait3A_30 = tpu.memref_slice %arg10[%dma_wait3A_27, %dma_wait3A_28, %dma_wait3A_29] : memref<1x128x128xf32, #tpu.memory_space<vmem>> -> memref<1x128x128xf32, #tpu.memory_space<vmem>>
      %dma_wait3A_31 = tpu.memref_squeeze %dma_wait3A_30 : memref<1x128x128xf32, #tpu.memory_space<vmem>> -> memref<128x128xf32, #tpu.memory_space<vmem>>
      %dma_wait3A_32 = arith.constant 0 : i32
      %dma_wait3A_33 = tpu.memref_slice %arg8[%dma_wait3A, %dma_wait3A_32] : memref<1x128xi32, #tpu.memory_space<vmem>> -> memref<1x128xi32, #tpu.memory_space<vmem>>
      %dma_wait3A_34 = tpu.memref_squeeze %dma_wait3A_33 : memref<1x128xi32, #tpu.memory_space<vmem>> -> memref<128xi32, #tpu.memory_space<vmem>>
      %dma_wait3A_35 = arith.constant 0 : i32
      %dma_wait3A_36 = arith.constant 0 : i32
      %dma_wait3A_37 = tpu.memref_slice %arg2[%dma_wait3A_35, %dma_wait3A_36] : memref<10000x128xf32, #tpu.memory_space<hbm>> -> memref<10000x128xf32, #tpu.memory_space<hbm>>
      tpu.wait_indirect_dma semaphore(%arg11 : memref<!tpu.dma_semaphore, #tpu.memory_space<semaphore_mem>>) src(%dma_wait3A_37 : memref<10000x128xf32, #tpu.memory_space<hbm>>) dst(%dma_wait3A_31 : memref<128x128xf32, #tpu.memory_space<vmem>>)
      %run_scoped3A_38 = arith.constant 0 : i32
      %run_scoped3A_39 = arith.constant 0 : i32
      "tpu.region"() ({
        %run_scoped3A_40 = tpu.sem_alloc : memref<!tpu.dma_semaphore, #tpu.memory_space<semaphore_mem>>
        %dma_start3A_41 = arith.constant 0 : i32
        %dma_start3A_42 = arith.constant 0 : i32
        %dma_start3A_43 = tpu.memref_slice %arg10[%run_scoped3A_38, %dma_start3A_41, %dma_start3A_42] : memref<1x128x128xf32, #tpu.memory_space<vmem>> -> memref<1x128x128xf32, #tpu.memory_space<vmem>>
        %dma_start3A_44 = tpu.memref_squeeze %dma_start3A_43 : memref<1x128x128xf32, #tpu.memory_space<vmem>> -> memref<128x128xf32, #tpu.memory_space<vmem>>
        %dma_start3A_45 = arith.constant 0 : i32
        %dma_start3A_46 = tpu.memref_slice %arg9[%run_scoped3A_39, %dma_start3A_45] : memref<1x128xi32, #tpu.memory_space<vmem>> -> memref<1x128xi32, #tpu.memory_space<vmem>>
        %dma_start3A_47 = tpu.memref_squeeze %dma_start3A_46 : memref<1x128xi32, #tpu.memory_space<vmem>> -> memref<128xi32, #tpu.memory_space<vmem>>
        %dma_start3A_48 = arith.constant 0 : i32
        %dma_start3A_49 = arith.constant 0 : i32
        %dma_start3A_50 = tpu.memref_slice %arg7[%dma_start3A_48, %dma_start3A_49] : memref<10016x128xf32, #tpu.memory_space<vmem_shared>> -> memref<10016x128xf32, #tpu.memory_space<vmem_shared>>
        tpu.enqueue_indirect_dma source(%dma_start3A_44 : memref<128x128xf32, #tpu.memory_space<vmem>>) target(%dma_start3A_50 : memref<10016x128xf32, #tpu.memory_space<vmem_shared>>) offsets(%dma_start3A_47 : memref<128xi32, #tpu.memory_space<vmem>>) semaphore(%run_scoped3A_40 : memref<!tpu.dma_semaphore, #tpu.memory_space<semaphore_mem>>) {add = true}
        %dma_wait3A_51 = arith.constant 0 : i32
        %dma_wait3A_52 = arith.constant 0 : i32
        %dma_wait3A_53 = tpu.memref_slice %arg10[%run_scoped3A_38, %dma_wait3A_51, %dma_wait3A_52] : memref<1x128x128xf32, #tpu.memory_space<vmem>> -> memref<1x128x128xf32, #tpu.memory_space<vmem>>
        %dma_wait3A_54 = tpu.memref_squeeze %dma_wait3A_53 : memref<1x128x128xf32, #tpu.memory_space<vmem>> -> memref<128x128xf32, #tpu.memory_space<vmem>>
        %dma_wait3A_55 = arith.constant 0 : i32
        %dma_wait3A_56 = tpu.memref_slice %arg9[%run_scoped3A_39, %dma_wait3A_55] : memref<1x128xi32, #tpu.memory_space<vmem>> -> memref<1x128xi32, #tpu.memory_space<vmem>>
        %dma_wait3A_57 = tpu.memref_squeeze %dma_wait3A_56 : memref<1x128xi32, #tpu.memory_space<vmem>> -> memref<128xi32, #tpu.memory_space<vmem>>
        %dma_wait3A_58 = arith.constant 0 : i32
        %dma_wait3A_59 = arith.constant 0 : i32
        %dma_wait3A_60 = tpu.memref_slice %arg7[%dma_wait3A_58, %dma_wait3A_59] : memref<10016x128xf32, #tpu.memory_space<vmem_shared>> -> memref<10016x128xf32, #tpu.memory_space<vmem_shared>>
        tpu.wait_indirect_dma semaphore(%run_scoped3A_40 : memref<!tpu.dma_semaphore, #tpu.memory_space<semaphore_mem>>) src(%dma_wait3A_54 : memref<128x128xf32, #tpu.memory_space<vmem>>) dst(%dma_wait3A_60 : memref<10016x128xf32, #tpu.memory_space<vmem_shared>>)
        tpu.yield
      }) : () -> ()
    }
    %scan3A_7 = arith.constant 79 : i32
    %barrier3A_8 = arith.constant 0 : index
    tpu.barrier barrier_id(%barrier3A_8)
    %mul3A_9 = arith.constant 626 : i32
    %mul3A_10 = arith.muli %arg1, %mul3A_9 : i32
    "tpu.region"() ({
      %run_scoped3A = tpu.sem_alloc : memref<!tpu.dma_semaphore, #tpu.memory_space<semaphore_mem>>
      %dma_start3A = arith.constant 0 : i32
      %dma_start3A_11 = arith.constant 0 : i32
      %dma_start3A_12 = tpu.memref_slice %arg6[%arg0, %arg1, %dma_start3A, %dma_start3A_11] : memref<2x16x626x128xf32, #tpu.memory_space<hbm>> -> memref<1x1x626x128xf32, #tpu.memory_space<hbm>>
      %dma_start3A_13 = tpu.memref_squeeze %dma_start3A_12 : memref<1x1x626x128xf32, #tpu.memory_space<hbm>> -> memref<626x128xf32, #tpu.memory_space<hbm>>
      %dma_start3A_14 = arith.constant 0 : i32
      %dma_start3A_15 = tpu.memref_slice %arg7[%mul3A_10, %dma_start3A_14] : memref<10016x128xf32, #tpu.memory_space<vmem_shared>> -> memref<626x128xf32, #tpu.memory_space<vmem_shared>>
      tpu.enqueue_dma source(%dma_start3A_15 : memref<626x128xf32, #tpu.memory_space<vmem_shared>>) target(%dma_start3A_13 : memref<626x128xf32, #tpu.memory_space<hbm>>) target_semaphore(%run_scoped3A : memref<!tpu.dma_semaphore, #tpu.memory_space<semaphore_mem>>)
      %dma_wait3A = arith.constant 0 : i32
      %dma_wait3A_16 = arith.constant 0 : i32
      %dma_wait3A_17 = tpu.memref_slice %arg6[%arg0, %arg1, %dma_wait3A, %dma_wait3A_16] : memref<2x16x626x128xf32, #tpu.memory_space<hbm>> -> memref<1x1x626x128xf32, #tpu.memory_space<hbm>>
      %dma_wait3A_18 = tpu.memref_squeeze %dma_wait3A_17 : memref<1x1x626x128xf32, #tpu.memory_space<hbm>> -> memref<626x128xf32, #tpu.memory_space<hbm>>
      %dma_wait3A_19 = arith.constant 0 : i32
      %dma_wait3A_20 = tpu.memref_slice %arg7[%mul3A_10, %dma_wait3A_19] : memref<10016x128xf32, #tpu.memory_space<vmem_shared>> -> memref<626x128xf32, #tpu.memory_space<vmem_shared>>
      tpu.wait_dma2 semaphore(%run_scoped3A : memref<!tpu.dma_semaphore, #tpu.memory_space<semaphore_mem>>) src(%dma_wait3A_20 : memref<626x128xf32, #tpu.memory_space<vmem_shared>>) dst(%dma_wait3A_18 : memref<626x128xf32, #tpu.memory_space<hbm>>)
      tpu.yield
    }) : () -> ()
    return
  }
}

#map = affine_map<(d0, d1) -> (0, 0)>
#map1 = affine_map<(d0, d1) -> (0, 0, 0, 0)>
module attributes {stable_mosaic.version = 14 : i64} {
  func.func @_scatter_kernel_body(%arg0: i32, %arg1: i32, %arg2: memref<10000x128xf32, #tpu.memory_space<hbm>>, %arg3: memref<2528x128xi32, #tpu.memory_space<hbm>>, %arg4: memref<2528x128xi32, #tpu.memory_space<hbm>>, %arg5: memref<626x128xf32, #tpu.memory_space<hbm>>, %arg6: memref<2x16x626x128xf32, #tpu.memory_space<hbm>>, %arg7: memref<10016x128xf32, #tpu.memory_space<vmem_shared>>, %arg8: memref<1x128xi32, #tpu.memory_space<vmem>>, %arg9: memref<1x128xi32, #tpu.memory_space<vmem>>, %arg10: memref<1x128x128xf32, #tpu.memory_space<vmem>>, %arg11: memref<!tpu.dma_semaphore, #tpu.memory_space<semaphore_mem>>) attributes {dimension_semantics = [#tpu.dimension_semantics<core_parallel>, #tpu.dimension_semantics<subcore_parallel>], iteration_bounds = array<i64: 2, 16>, scalar_prefetch = 0 : i64, scratch_operands = 5 : i64, tpu.core_type = #tpu.core_type<sc_vector_subcore>, window_params = [{transform_indices = #map}, {transform_indices = #map}, {transform_indices = #map}, {transform_indices = #map}, {transform_indices = #map1}]} {
    %mul3A = arith.constant 16 : i32
    %mul3A_0 = arith.muli %arg0, %mul3A : i32
    %add3A = arith.addi %mul3A_0, %arg1 : i32
    %mul3A_1 = arith.constant 626 : i32
    %mul3A_2 = arith.muli %arg1, %mul3A_1 : i32
    "tpu.region"() ({
      %run_scoped3A = tpu.sem_alloc : memref<!tpu.dma_semaphore, #tpu.memory_space<semaphore_mem>>
      %dma_start3A = arith.constant 0 : i32
      %dma_start3A_11 = tpu.memref_slice %arg7[%mul3A_2, %dma_start3A] : memref<10016x128xf32, #tpu.memory_space<vmem_shared>> -> memref<626x128xf32, #tpu.memory_space<vmem_shared>>
      tpu.enqueue_dma source(%arg5 : memref<626x128xf32, #tpu.memory_space<hbm>>) target(%dma_start3A_11 : memref<626x128xf32, #tpu.memory_space<vmem_shared>>) target_semaphore(%run_scoped3A : memref<!tpu.dma_semaphore, #tpu.memory_space<semaphore_mem>>)
      %dma_wait3A = arith.constant 0 : i32
      %dma_wait3A_12 = tpu.memref_slice %arg7[%mul3A_2, %dma_wait3A] : memref<10016x128xf32, #tpu.memory_space<vmem_shared>> -> memref<626x128xf32, #tpu.memory_space<vmem_shared>>
      tpu.wait_dma2 semaphore(%run_scoped3A : memref<!tpu.dma_semaphore, #tpu.memory_space<semaphore_mem>>) src(%arg5 : memref<626x128xf32, #tpu.memory_space<hbm>>) dst(%dma_wait3A_12 : memref<626x128xf32, #tpu.memory_space<vmem_shared>>)
      tpu.yield
    }) : () -> ()
    %barrier3A = arith.constant 0 : index
    tpu.barrier barrier_id(%barrier3A)
    %scan3A = arith.constant 0 : i32
    %scan3A_3 = arith.constant 0 : i32
    %scan3A_4 = arith.constant 79 : i32
    %scan3A_5 = arith.addi %scan3A_3, %scan3A_4 : i32
    %scan3A_6 = arith.constant 1 : i32
    scf.for %scan3A_11 = %scan3A_3 to %scan3A_5 step %scan3A_6  : i32 {
      %mul3A_12 = arith.constant 79 : i32
      %mul3A_13 = arith.muli %add3A, %mul3A_12 : i32
      %add3A_14 = arith.addi %mul3A_13, %scan3A_11 : i32
      %run_scoped3A = arith.constant 0 : i32
      "tpu.region"() ({
        %run_scoped3A_40 = tpu.sem_alloc : memref<!tpu.dma_semaphore, #tpu.memory_space<semaphore_mem>>
        %dma_start3A_41 = arith.constant 0 : i32
        %dma_start3A_42 = tpu.memref_slice %arg8[%run_scoped3A, %dma_start3A_41] : memref<1x128xi32, #tpu.memory_space<vmem>> -> memref<1x128xi32, #tpu.memory_space<vmem>>
        %dma_start3A_43 = tpu.memref_squeeze %dma_start3A_42 : memref<1x128xi32, #tpu.memory_space<vmem>> -> memref<128xi32, #tpu.memory_space<vmem>>
        %dma_start3A_44 = arith.constant 0 : i32
        %dma_start3A_45 = tpu.memref_slice %arg3[%add3A_14, %dma_start3A_44] : memref<2528x128xi32, #tpu.memory_space<hbm>> -> memref<1x128xi32, #tpu.memory_space<hbm>>
        %dma_start3A_46 = tpu.memref_squeeze %dma_start3A_45 : memref<1x128xi32, #tpu.memory_space<hbm>> -> memref<128xi32, #tpu.memory_space<hbm>>
        %dma_start3A_47 = arith.constant 0 : i32
        %dma_start3A_48 = tpu.memref_slice %arg8[%run_scoped3A, %dma_start3A_47] : memref<1x128xi32, #tpu.memory_space<vmem>> -> memref<1x128xi32, #tpu.memory_space<vmem>>
        %dma_start3A_49 = tpu.memref_squeeze %dma_start3A_48 : memref<1x128xi32, #tpu.memory_space<vmem>> -> memref<128xi32, #tpu.memory_space<vmem>>
        %dma_start3A_50 = arith.constant 0 : i32
        %dma_start3A_51 = tpu.memref_slice %arg3[%add3A_14, %dma_start3A_50] : memref<2528x128xi32, #tpu.memory_space<hbm>> -> memref<1x128xi32, #tpu.memory_space<hbm>>
        %dma_start3A_52 = tpu.memref_squeeze %dma_start3A_51 : memref<1x128xi32, #tpu.memory_space<hbm>> -> memref<128xi32, #tpu.memory_space<hbm>>
        tpu.enqueue_dma source(%dma_start3A_52 : memref<128xi32, #tpu.memory_space<hbm>>) target(%dma_start3A_49 : memref<128xi32, #tpu.memory_space<vmem>>) target_semaphore(%run_scoped3A_40 : memref<!tpu.dma_semaphore, #tpu.memory_space<semaphore_mem>>)
        %dma_wait3A_53 = arith.constant 0 : i32
        %dma_wait3A_54 = tpu.memref_slice %arg8[%run_scoped3A, %dma_wait3A_53] : memref<1x128xi32, #tpu.memory_space<vmem>> -> memref<1x128xi32, #tpu.memory_space<vmem>>
        %dma_wait3A_55 = tpu.memref_squeeze %dma_wait3A_54 : memref<1x128xi32, #tpu.memory_space<vmem>> -> memref<128xi32, #tpu.memory_space<vmem>>
        %dma_wait3A_56 = arith.constant 0 : i32
        %dma_wait3A_57 = tpu.memref_slice %arg3[%add3A_14, %dma_wait3A_56] : memref<2528x128xi32, #tpu.memory_space<hbm>> -> memref<1x128xi32, #tpu.memory_space<hbm>>
        %dma_wait3A_58 = tpu.memref_squeeze %dma_wait3A_57 : memref<1x128xi32, #tpu.memory_space<hbm>> -> memref<128xi32, #tpu.memory_space<hbm>>
        %dma_wait3A_59 = arith.constant 0 : i32
        %dma_wait3A_60 = tpu.memref_slice %arg8[%run_scoped3A, %dma_wait3A_59] : memref<1x128xi32, #tpu.memory_space<vmem>> -> memref<1x128xi32, #tpu.memory_space<vmem>>
        %dma_wait3A_61 = tpu.memref_squeeze %dma_wait3A_60 : memref<1x128xi32, #tpu.memory_space<vmem>> -> memref<128xi32, #tpu.memory_space<vmem>>
        %dma_wait3A_62 = arith.constant 0 : i32
        %dma_wait3A_63 = tpu.memref_slice %arg3[%add3A_14, %dma_wait3A_62] : memref<2528x128xi32, #tpu.memory_space<hbm>> -> memref<1x128xi32, #tpu.memory_space<hbm>>
        %dma_wait3A_64 = tpu.memref_squeeze %dma_wait3A_63 : memref<1x128xi32, #tpu.memory_space<hbm>> -> memref<128xi32, #tpu.memory_space<hbm>>
        tpu.wait_dma2 semaphore(%run_scoped3A_40 : memref<!tpu.dma_semaphore, #tpu.memory_space<semaphore_mem>>) src(%dma_wait3A_64 : memref<128xi32, #tpu.memory_space<hbm>>) dst(%dma_wait3A_61 : memref<128xi32, #tpu.memory_space<vmem>>)
        tpu.yield
      }) : () -> ()
      %run_scoped3A_15 = arith.constant 0 : i32
      "tpu.region"() ({
        %run_scoped3A_40 = tpu.sem_alloc : memref<!tpu.dma_semaphore, #tpu.memory_space<semaphore_mem>>
        %dma_start3A_41 = arith.constant 0 : i32
        %dma_start3A_42 = tpu.memref_slice %arg9[%run_scoped3A_15, %dma_start3A_41] : memref<1x128xi32, #tpu.memory_space<vmem>> -> memref<1x128xi32, #tpu.memory_space<vmem>>
        %dma_start3A_43 = tpu.memref_squeeze %dma_start3A_42 : memref<1x128xi32, #tpu.memory_space<vmem>> -> memref<128xi32, #tpu.memory_space<vmem>>
        %dma_start3A_44 = arith.constant 0 : i32
        %dma_start3A_45 = tpu.memref_slice %arg4[%add3A_14, %dma_start3A_44] : memref<2528x128xi32, #tpu.memory_space<hbm>> -> memref<1x128xi32, #tpu.memory_space<hbm>>
        %dma_start3A_46 = tpu.memref_squeeze %dma_start3A_45 : memref<1x128xi32, #tpu.memory_space<hbm>> -> memref<128xi32, #tpu.memory_space<hbm>>
        %dma_start3A_47 = arith.constant 0 : i32
        %dma_start3A_48 = tpu.memref_slice %arg9[%run_scoped3A_15, %dma_start3A_47] : memref<1x128xi32, #tpu.memory_space<vmem>> -> memref<1x128xi32, #tpu.memory_space<vmem>>
        %dma_start3A_49 = tpu.memref_squeeze %dma_start3A_48 : memref<1x128xi32, #tpu.memory_space<vmem>> -> memref<128xi32, #tpu.memory_space<vmem>>
        %dma_start3A_50 = arith.constant 0 : i32
        %dma_start3A_51 = tpu.memref_slice %arg4[%add3A_14, %dma_start3A_50] : memref<2528x128xi32, #tpu.memory_space<hbm>> -> memref<1x128xi32, #tpu.memory_space<hbm>>
        %dma_start3A_52 = tpu.memref_squeeze %dma_start3A_51 : memref<1x128xi32, #tpu.memory_space<hbm>> -> memref<128xi32, #tpu.memory_space<hbm>>
        tpu.enqueue_dma source(%dma_start3A_52 : memref<128xi32, #tpu.memory_space<hbm>>) target(%dma_start3A_49 : memref<128xi32, #tpu.memory_space<vmem>>) target_semaphore(%run_scoped3A_40 : memref<!tpu.dma_semaphore, #tpu.memory_space<semaphore_mem>>)
        %dma_wait3A_53 = arith.constant 0 : i32
        %dma_wait3A_54 = tpu.memref_slice %arg9[%run_scoped3A_15, %dma_wait3A_53] : memref<1x128xi32, #tpu.memory_space<vmem>> -> memref<1x128xi32, #tpu.memory_space<vmem>>
        %dma_wait3A_55 = tpu.memref_squeeze %dma_wait3A_54 : memref<1x128xi32, #tpu.memory_space<vmem>> -> memref<128xi32, #tpu.memory_space<vmem>>
        %dma_wait3A_56 = arith.constant 0 : i32
        %dma_wait3A_57 = tpu.memref_slice %arg4[%add3A_14, %dma_wait3A_56] : memref<2528x128xi32, #tpu.memory_space<hbm>> -> memref<1x128xi32, #tpu.memory_space<hbm>>
        %dma_wait3A_58 = tpu.memref_squeeze %dma_wait3A_57 : memref<1x128xi32, #tpu.memory_space<hbm>> -> memref<128xi32, #tpu.memory_space<hbm>>
        %dma_wait3A_59 = arith.constant 0 : i32
        %dma_wait3A_60 = tpu.memref_slice %arg9[%run_scoped3A_15, %dma_wait3A_59] : memref<1x128xi32, #tpu.memory_space<vmem>> -> memref<1x128xi32, #tpu.memory_space<vmem>>
        %dma_wait3A_61 = tpu.memref_squeeze %dma_wait3A_60 : memref<1x128xi32, #tpu.memory_space<vmem>> -> memref<128xi32, #tpu.memory_space<vmem>>
        %dma_wait3A_62 = arith.constant 0 : i32
        %dma_wait3A_63 = tpu.memref_slice %arg4[%add3A_14, %dma_wait3A_62] : memref<2528x128xi32, #tpu.memory_space<hbm>> -> memref<1x128xi32, #tpu.memory_space<hbm>>
        %dma_wait3A_64 = tpu.memref_squeeze %dma_wait3A_63 : memref<1x128xi32, #tpu.memory_space<hbm>> -> memref<128xi32, #tpu.memory_space<hbm>>
        tpu.wait_dma2 semaphore(%run_scoped3A_40 : memref<!tpu.dma_semaphore, #tpu.memory_space<semaphore_mem>>) src(%dma_wait3A_64 : memref<128xi32, #tpu.memory_space<hbm>>) dst(%dma_wait3A_61 : memref<128xi32, #tpu.memory_space<vmem>>)
        tpu.yield
      }) : () -> ()
      %dma_start3A = arith.constant 0 : i32
      %dma_start3A_16 = arith.constant 0 : i32
      %dma_start3A_17 = arith.constant 0 : i32
      %dma_start3A_18 = arith.constant 0 : i32
      %dma_start3A_19 = tpu.memref_slice %arg10[%dma_start3A_16, %dma_start3A_17, %dma_start3A_18] : memref<1x128x128xf32, #tpu.memory_space<vmem>> -> memref<1x128x128xf32, #tpu.memory_space<vmem>>
      %dma_start3A_20 = tpu.memref_squeeze %dma_start3A_19 : memref<1x128x128xf32, #tpu.memory_space<vmem>> -> memref<128x128xf32, #tpu.memory_space<vmem>>
      %dma_start3A_21 = arith.constant 0 : i32
      %dma_start3A_22 = tpu.memref_slice %arg8[%dma_start3A, %dma_start3A_21] : memref<1x128xi32, #tpu.memory_space<vmem>> -> memref<1x128xi32, #tpu.memory_space<vmem>>
      %dma_start3A_23 = tpu.memref_squeeze %dma_start3A_22 : memref<1x128xi32, #tpu.memory_space<vmem>> -> memref<128xi32, #tpu.memory_space<vmem>>
      %dma_start3A_24 = arith.constant 0 : i32
      %dma_start3A_25 = arith.constant 0 : i32
      %dma_start3A_26 = tpu.memref_slice %arg2[%dma_start3A_24, %dma_start3A_25] : memref<10000x128xf32, #tpu.memory_space<hbm>> -> memref<10000x128xf32, #tpu.memory_space<hbm>>
      tpu.enqueue_indirect_dma source(%dma_start3A_26 : memref<10000x128xf32, #tpu.memory_space<hbm>>) target(%dma_start3A_20 : memref<128x128xf32, #tpu.memory_space<vmem>>) offsets(%dma_start3A_23 : memref<128xi32, #tpu.memory_space<vmem>>) semaphore(%arg11 : memref<!tpu.dma_semaphore, #tpu.memory_space<semaphore_mem>>)
      %dma_wait3A = arith.constant 0 : i32
      %dma_wait3A_27 = arith.constant 0 : i32
      %dma_wait3A_28 = arith.constant 0 : i32
      %dma_wait3A_29 = arith.constant 0 : i32
      %dma_wait3A_30 = tpu.memref_slice %arg10[%dma_wait3A_27, %dma_wait3A_28, %dma_wait3A_29] : memref<1x128x128xf32, #tpu.memory_space<vmem>> -> memref<1x128x128xf32, #tpu.memory_space<vmem>>
      %dma_wait3A_31 = tpu.memref_squeeze %dma_wait3A_30 : memref<1x128x128xf32, #tpu.memory_space<vmem>> -> memref<128x128xf32, #tpu.memory_space<vmem>>
      %dma_wait3A_32 = arith.constant 0 : i32
      %dma_wait3A_33 = tpu.memref_slice %arg8[%dma_wait3A, %dma_wait3A_32] : memref<1x128xi32, #tpu.memory_space<vmem>> -> memref<1x128xi32, #tpu.memory_space<vmem>>
      %dma_wait3A_34 = tpu.memref_squeeze %dma_wait3A_33 : memref<1x128xi32, #tpu.memory_space<vmem>> -> memref<128xi32, #tpu.memory_space<vmem>>
      %dma_wait3A_35 = arith.constant 0 : i32
      %dma_wait3A_36 = arith.constant 0 : i32
      %dma_wait3A_37 = tpu.memref_slice %arg2[%dma_wait3A_35, %dma_wait3A_36] : memref<10000x128xf32, #tpu.memory_space<hbm>> -> memref<10000x128xf32, #tpu.memory_space<hbm>>
      tpu.wait_indirect_dma semaphore(%arg11 : memref<!tpu.dma_semaphore, #tpu.memory_space<semaphore_mem>>) src(%dma_wait3A_37 : memref<10000x128xf32, #tpu.memory_space<hbm>>) dst(%dma_wait3A_31 : memref<128x128xf32, #tpu.memory_space<vmem>>)
      %run_scoped3A_38 = arith.constant 0 : i32
      %run_scoped3A_39 = arith.constant 0 : i32
      "tpu.region"() ({
        %run_scoped3A_40 = tpu.sem_alloc : memref<!tpu.dma_semaphore, #tpu.memory_space<semaphore_mem>>
        %dma_start3A_41 = arith.constant 0 : i32
        %dma_start3A_42 = arith.constant 0 : i32
        %dma_start3A_43 = tpu.memref_slice %arg10[%run_scoped3A_38, %dma_start3A_41, %dma_start3A_42] : memref<1x128x128xf32, #tpu.memory_space<vmem>> -> memref<1x128x128xf32, #tpu.memory_space<vmem>>
        %dma_start3A_44 = tpu.memref_squeeze %dma_start3A_43 : memref<1x128x128xf32, #tpu.memory_space<vmem>> -> memref<128x128xf32, #tpu.memory_space<vmem>>
        %dma_start3A_45 = arith.constant 0 : i32
        %dma_start3A_46 = tpu.memref_slice %arg9[%run_scoped3A_39, %dma_start3A_45] : memref<1x128xi32, #tpu.memory_space<vmem>> -> memref<1x128xi32, #tpu.memory_space<vmem>>
        %dma_start3A_47 = tpu.memref_squeeze %dma_start3A_46 : memref<1x128xi32, #tpu.memory_space<vmem>> -> memref<128xi32, #tpu.memory_space<vmem>>
        %dma_start3A_48 = arith.constant 0 : i32
        %dma_start3A_49 = arith.constant 0 : i32
        %dma_start3A_50 = tpu.memref_slice %arg7[%dma_start3A_48, %dma_start3A_49] : memref<10016x128xf32, #tpu.memory_space<vmem_shared>> -> memref<10016x128xf32, #tpu.memory_space<vmem_shared>>
        tpu.enqueue_indirect_dma source(%dma_start3A_44 : memref<128x128xf32, #tpu.memory_space<vmem>>) target(%dma_start3A_50 : memref<10016x128xf32, #tpu.memory_space<vmem_shared>>) offsets(%dma_start3A_47 : memref<128xi32, #tpu.memory_space<vmem>>) semaphore(%run_scoped3A_40 : memref<!tpu.dma_semaphore, #tpu.memory_space<semaphore_mem>>) {add = true}
        %dma_wait3A_51 = arith.constant 0 : i32
        %dma_wait3A_52 = arith.constant 0 : i32
        %dma_wait3A_53 = tpu.memref_slice %arg10[%run_scoped3A_38, %dma_wait3A_51, %dma_wait3A_52] : memref<1x128x128xf32, #tpu.memory_space<vmem>> -> memref<1x128x128xf32, #tpu.memory_space<vmem>>
        %dma_wait3A_54 = tpu.memref_squeeze %dma_wait3A_53 : memref<1x128x128xf32, #tpu.memory_space<vmem>> -> memref<128x128xf32, #tpu.memory_space<vmem>>
        %dma_wait3A_55 = arith.constant 0 : i32
        %dma_wait3A_56 = tpu.memref_slice %arg9[%run_scoped3A_39, %dma_wait3A_55] : memref<1x128xi32, #tpu.memory_space<vmem>> -> memref<1x128xi32, #tpu.memory_space<vmem>>
        %dma_wait3A_57 = tpu.memref_squeeze %dma_wait3A_56 : memref<1x128xi32, #tpu.memory_space<vmem>> -> memref<128xi32, #tpu.memory_space<vmem>>
        %dma_wait3A_58 = arith.constant 0 : i32
        %dma_wait3A_59 = arith.constant 0 : i32
        %dma_wait3A_60 = tpu.memref_slice %arg7[%dma_wait3A_58, %dma_wait3A_59] : memref<10016x128xf32, #tpu.memory_space<vmem_shared>> -> memref<10016x128xf32, #tpu.memory_space<vmem_shared>>
        tpu.wait_indirect_dma semaphore(%run_scoped3A_40 : memref<!tpu.dma_semaphore, #tpu.memory_space<semaphore_mem>>) src(%dma_wait3A_54 : memref<128x128xf32, #tpu.memory_space<vmem>>) dst(%dma_wait3A_60 : memref<10016x128xf32, #tpu.memory_space<vmem_shared>>)
        tpu.yield
      }) : () -> ()
    }
    %scan3A_7 = arith.constant 79 : i32
    %barrier3A_8 = arith.constant 0 : index
    tpu.barrier barrier_id(%barrier3A_8)
    %mul3A_9 = arith.constant 626 : i32
    %mul3A_10 = arith.muli %arg1, %mul3A_9 : i32
    "tpu.region"() ({
      %run_scoped3A = tpu.sem_alloc : memref<!tpu.dma_semaphore, #tpu.memory_space<semaphore_mem>>
      %dma_start3A = arith.constant 0 : i32
      %dma_start3A_11 = arith.constant 0 : i32
      %dma_start3A_12 = tpu.memref_slice %arg6[%arg0, %arg1, %dma_start3A, %dma_start3A_11] : memref<2x16x626x128xf32, #tpu.memory_space<hbm>> -> memref<1x1x626x128xf32, #tpu.memory_space<hbm>>
      %dma_start3A_13 = tpu.memref_squeeze %dma_start3A_12 : memref<1x1x626x128xf32, #tpu.memory_space<hbm>> -> memref<626x128xf32, #tpu.memory_space<hbm>>
      %dma_start3A_14 = arith.constant 0 : i32
      %dma_start3A_15 = tpu.memref_slice %arg7[%mul3A_10, %dma_start3A_14] : memref<10016x128xf32, #tpu.memory_space<vmem_shared>> -> memref<626x128xf32, #tpu.memory_space<vmem_shared>>
      tpu.enqueue_dma source(%dma_start3A_15 : memref<626x128xf32, #tpu.memory_space<vmem_shared>>) target(%dma_start3A_13 : memref<626x128xf32, #tpu.memory_space<hbm>>) target_semaphore(%run_scoped3A : memref<!tpu.dma_semaphore, #tpu.memory_space<semaphore_mem>>)
      %dma_wait3A = arith.constant 0 : i32
      %dma_wait3A_16 = arith.constant 0 : i32
      %dma_wait3A_17 = tpu.memref_slice %arg6[%arg0, %arg1, %dma_wait3A, %dma_wait3A_16] : memref<2x16x626x128xf32, #tpu.memory_space<hbm>> -> memref<1x1x626x128xf32, #tpu.memory_space<hbm>>
      %dma_wait3A_18 = tpu.memref_squeeze %dma_wait3A_17 : memref<1x1x626x128xf32, #tpu.memory_space<hbm>> -> memref<626x128xf32, #tpu.memory_space<hbm>>
      %dma_wait3A_19 = arith.constant 0 : i32
      %dma_wait3A_20 = tpu.memref_slice %arg7[%mul3A_10, %dma_wait3A_19] : memref<10016x128xf32, #tpu.memory_space<vmem_shared>> -> memref<626x128xf32, #tpu.memory_space<vmem_shared>>
      tpu.wait_dma2 semaphore(%run_scoped3A : memref<!tpu.dma_semaphore, #tpu.memory_space<semaphore_mem>>) src(%dma_wait3A_20 : memref<626x128xf32, #tpu.memory_space<vmem_shared>>) dst(%dma_wait3A_18 : memref<626x128xf32, #tpu.memory_space<hbm>>)
      tpu.yield
    }) : () -> ()
    return
  }
}

#map = affine_map<(d0, d1) -> (0, 0)>
#map1 = affine_map<(d0, d1) -> (0, 0, 0, 0)>
module attributes {stable_mosaic.version = 14 : i64} {
  func.func @_scatter_kernel_body(%arg0: i32, %arg1: i32, %arg2: memref<10000x128xf32, #tpu.memory_space<hbm>>, %arg3: memref<2528x128xi32, #tpu.memory_space<hbm>>, %arg4: memref<2528x128xi32, #tpu.memory_space<hbm>>, %arg5: memref<626x128xf32, #tpu.memory_space<hbm>>, %arg6: memref<2x16x626x128xf32, #tpu.memory_space<hbm>>, %arg7: memref<10016x128xf32, #tpu.memory_space<vmem_shared>>, %arg8: memref<1x128xi32, #tpu.memory_space<vmem>>, %arg9: memref<1x128xi32, #tpu.memory_space<vmem>>, %arg10: memref<1x128x128xf32, #tpu.memory_space<vmem>>, %arg11: memref<!tpu.dma_semaphore, #tpu.memory_space<semaphore_mem>>) attributes {dimension_semantics = [#tpu.dimension_semantics<core_parallel>, #tpu.dimension_semantics<subcore_parallel>], iteration_bounds = array<i64: 2, 16>, scalar_prefetch = 0 : i64, scratch_operands = 5 : i64, tpu.core_type = #tpu.core_type<sc_vector_subcore>, window_params = [{transform_indices = #map}, {transform_indices = #map}, {transform_indices = #map}, {transform_indices = #map}, {transform_indices = #map1}]} {
    %mul3A = arith.constant 16 : i32
    %mul3A_0 = arith.muli %arg0, %mul3A : i32
    %add3A = arith.addi %mul3A_0, %arg1 : i32
    %mul3A_1 = arith.constant 626 : i32
    %mul3A_2 = arith.muli %arg1, %mul3A_1 : i32
    "tpu.region"() ({
      %run_scoped3A = tpu.sem_alloc : memref<!tpu.dma_semaphore, #tpu.memory_space<semaphore_mem>>
      %dma_start3A = arith.constant 0 : i32
      %dma_start3A_11 = tpu.memref_slice %arg7[%mul3A_2, %dma_start3A] : memref<10016x128xf32, #tpu.memory_space<vmem_shared>> -> memref<626x128xf32, #tpu.memory_space<vmem_shared>>
      tpu.enqueue_dma source(%arg5 : memref<626x128xf32, #tpu.memory_space<hbm>>) target(%dma_start3A_11 : memref<626x128xf32, #tpu.memory_space<vmem_shared>>) target_semaphore(%run_scoped3A : memref<!tpu.dma_semaphore, #tpu.memory_space<semaphore_mem>>)
      %dma_wait3A = arith.constant 0 : i32
      %dma_wait3A_12 = tpu.memref_slice %arg7[%mul3A_2, %dma_wait3A] : memref<10016x128xf32, #tpu.memory_space<vmem_shared>> -> memref<626x128xf32, #tpu.memory_space<vmem_shared>>
      tpu.wait_dma2 semaphore(%run_scoped3A : memref<!tpu.dma_semaphore, #tpu.memory_space<semaphore_mem>>) src(%arg5 : memref<626x128xf32, #tpu.memory_space<hbm>>) dst(%dma_wait3A_12 : memref<626x128xf32, #tpu.memory_space<vmem_shared>>)
      tpu.yield
    }) : () -> ()
    %barrier3A = arith.constant 0 : index
    tpu.barrier barrier_id(%barrier3A)
    %scan3A = arith.constant 0 : i32
    %scan3A_3 = arith.constant 0 : i32
    %scan3A_4 = arith.constant 79 : i32
    %scan3A_5 = arith.addi %scan3A_3, %scan3A_4 : i32
    %scan3A_6 = arith.constant 1 : i32
    scf.for %scan3A_11 = %scan3A_3 to %scan3A_5 step %scan3A_6  : i32 {
      %mul3A_12 = arith.constant 79 : i32
      %mul3A_13 = arith.muli %add3A, %mul3A_12 : i32
      %add3A_14 = arith.addi %mul3A_13, %scan3A_11 : i32
      %run_scoped3A = arith.constant 0 : i32
      "tpu.region"() ({
        %run_scoped3A_40 = tpu.sem_alloc : memref<!tpu.dma_semaphore, #tpu.memory_space<semaphore_mem>>
        %dma_start3A_41 = arith.constant 0 : i32
        %dma_start3A_42 = tpu.memref_slice %arg8[%run_scoped3A, %dma_start3A_41] : memref<1x128xi32, #tpu.memory_space<vmem>> -> memref<1x128xi32, #tpu.memory_space<vmem>>
        %dma_start3A_43 = tpu.memref_squeeze %dma_start3A_42 : memref<1x128xi32, #tpu.memory_space<vmem>> -> memref<128xi32, #tpu.memory_space<vmem>>
        %dma_start3A_44 = arith.constant 0 : i32
        %dma_start3A_45 = tpu.memref_slice %arg3[%add3A_14, %dma_start3A_44] : memref<2528x128xi32, #tpu.memory_space<hbm>> -> memref<1x128xi32, #tpu.memory_space<hbm>>
        %dma_start3A_46 = tpu.memref_squeeze %dma_start3A_45 : memref<1x128xi32, #tpu.memory_space<hbm>> -> memref<128xi32, #tpu.memory_space<hbm>>
        %dma_start3A_47 = arith.constant 0 : i32
        %dma_start3A_48 = tpu.memref_slice %arg8[%run_scoped3A, %dma_start3A_47] : memref<1x128xi32, #tpu.memory_space<vmem>> -> memref<1x128xi32, #tpu.memory_space<vmem>>
        %dma_start3A_49 = tpu.memref_squeeze %dma_start3A_48 : memref<1x128xi32, #tpu.memory_space<vmem>> -> memref<128xi32, #tpu.memory_space<vmem>>
        %dma_start3A_50 = arith.constant 0 : i32
        %dma_start3A_51 = tpu.memref_slice %arg3[%add3A_14, %dma_start3A_50] : memref<2528x128xi32, #tpu.memory_space<hbm>> -> memref<1x128xi32, #tpu.memory_space<hbm>>
        %dma_start3A_52 = tpu.memref_squeeze %dma_start3A_51 : memref<1x128xi32, #tpu.memory_space<hbm>> -> memref<128xi32, #tpu.memory_space<hbm>>
        tpu.enqueue_dma source(%dma_start3A_52 : memref<128xi32, #tpu.memory_space<hbm>>) target(%dma_start3A_49 : memref<128xi32, #tpu.memory_space<vmem>>) target_semaphore(%run_scoped3A_40 : memref<!tpu.dma_semaphore, #tpu.memory_space<semaphore_mem>>)
        %dma_wait3A_53 = arith.constant 0 : i32
        %dma_wait3A_54 = tpu.memref_slice %arg8[%run_scoped3A, %dma_wait3A_53] : memref<1x128xi32, #tpu.memory_space<vmem>> -> memref<1x128xi32, #tpu.memory_space<vmem>>
        %dma_wait3A_55 = tpu.memref_squeeze %dma_wait3A_54 : memref<1x128xi32, #tpu.memory_space<vmem>> -> memref<128xi32, #tpu.memory_space<vmem>>
        %dma_wait3A_56 = arith.constant 0 : i32
        %dma_wait3A_57 = tpu.memref_slice %arg3[%add3A_14, %dma_wait3A_56] : memref<2528x128xi32, #tpu.memory_space<hbm>> -> memref<1x128xi32, #tpu.memory_space<hbm>>
        %dma_wait3A_58 = tpu.memref_squeeze %dma_wait3A_57 : memref<1x128xi32, #tpu.memory_space<hbm>> -> memref<128xi32, #tpu.memory_space<hbm>>
        %dma_wait3A_59 = arith.constant 0 : i32
        %dma_wait3A_60 = tpu.memref_slice %arg8[%run_scoped3A, %dma_wait3A_59] : memref<1x128xi32, #tpu.memory_space<vmem>> -> memref<1x128xi32, #tpu.memory_space<vmem>>
        %dma_wait3A_61 = tpu.memref_squeeze %dma_wait3A_60 : memref<1x128xi32, #tpu.memory_space<vmem>> -> memref<128xi32, #tpu.memory_space<vmem>>
        %dma_wait3A_62 = arith.constant 0 : i32
        %dma_wait3A_63 = tpu.memref_slice %arg3[%add3A_14, %dma_wait3A_62] : memref<2528x128xi32, #tpu.memory_space<hbm>> -> memref<1x128xi32, #tpu.memory_space<hbm>>
        %dma_wait3A_64 = tpu.memref_squeeze %dma_wait3A_63 : memref<1x128xi32, #tpu.memory_space<hbm>> -> memref<128xi32, #tpu.memory_space<hbm>>
        tpu.wait_dma2 semaphore(%run_scoped3A_40 : memref<!tpu.dma_semaphore, #tpu.memory_space<semaphore_mem>>) src(%dma_wait3A_64 : memref<128xi32, #tpu.memory_space<hbm>>) dst(%dma_wait3A_61 : memref<128xi32, #tpu.memory_space<vmem>>)
        tpu.yield
      }) : () -> ()
      %run_scoped3A_15 = arith.constant 0 : i32
      "tpu.region"() ({
        %run_scoped3A_40 = tpu.sem_alloc : memref<!tpu.dma_semaphore, #tpu.memory_space<semaphore_mem>>
        %dma_start3A_41 = arith.constant 0 : i32
        %dma_start3A_42 = tpu.memref_slice %arg9[%run_scoped3A_15, %dma_start3A_41] : memref<1x128xi32, #tpu.memory_space<vmem>> -> memref<1x128xi32, #tpu.memory_space<vmem>>
        %dma_start3A_43 = tpu.memref_squeeze %dma_start3A_42 : memref<1x128xi32, #tpu.memory_space<vmem>> -> memref<128xi32, #tpu.memory_space<vmem>>
        %dma_start3A_44 = arith.constant 0 : i32
        %dma_start3A_45 = tpu.memref_slice %arg4[%add3A_14, %dma_start3A_44] : memref<2528x128xi32, #tpu.memory_space<hbm>> -> memref<1x128xi32, #tpu.memory_space<hbm>>
        %dma_start3A_46 = tpu.memref_squeeze %dma_start3A_45 : memref<1x128xi32, #tpu.memory_space<hbm>> -> memref<128xi32, #tpu.memory_space<hbm>>
        %dma_start3A_47 = arith.constant 0 : i32
        %dma_start3A_48 = tpu.memref_slice %arg9[%run_scoped3A_15, %dma_start3A_47] : memref<1x128xi32, #tpu.memory_space<vmem>> -> memref<1x128xi32, #tpu.memory_space<vmem>>
        %dma_start3A_49 = tpu.memref_squeeze %dma_start3A_48 : memref<1x128xi32, #tpu.memory_space<vmem>> -> memref<128xi32, #tpu.memory_space<vmem>>
        %dma_start3A_50 = arith.constant 0 : i32
        %dma_start3A_51 = tpu.memref_slice %arg4[%add3A_14, %dma_start3A_50] : memref<2528x128xi32, #tpu.memory_space<hbm>> -> memref<1x128xi32, #tpu.memory_space<hbm>>
        %dma_start3A_52 = tpu.memref_squeeze %dma_start3A_51 : memref<1x128xi32, #tpu.memory_space<hbm>> -> memref<128xi32, #tpu.memory_space<hbm>>
        tpu.enqueue_dma source(%dma_start3A_52 : memref<128xi32, #tpu.memory_space<hbm>>) target(%dma_start3A_49 : memref<128xi32, #tpu.memory_space<vmem>>) target_semaphore(%run_scoped3A_40 : memref<!tpu.dma_semaphore, #tpu.memory_space<semaphore_mem>>)
        %dma_wait3A_53 = arith.constant 0 : i32
        %dma_wait3A_54 = tpu.memref_slice %arg9[%run_scoped3A_15, %dma_wait3A_53] : memref<1x128xi32, #tpu.memory_space<vmem>> -> memref<1x128xi32, #tpu.memory_space<vmem>>
        %dma_wait3A_55 = tpu.memref_squeeze %dma_wait3A_54 : memref<1x128xi32, #tpu.memory_space<vmem>> -> memref<128xi32, #tpu.memory_space<vmem>>
        %dma_wait3A_56 = arith.constant 0 : i32
        %dma_wait3A_57 = tpu.memref_slice %arg4[%add3A_14, %dma_wait3A_56] : memref<2528x128xi32, #tpu.memory_space<hbm>> -> memref<1x128xi32, #tpu.memory_space<hbm>>
        %dma_wait3A_58 = tpu.memref_squeeze %dma_wait3A_57 : memref<1x128xi32, #tpu.memory_space<hbm>> -> memref<128xi32, #tpu.memory_space<hbm>>
        %dma_wait3A_59 = arith.constant 0 : i32
        %dma_wait3A_60 = tpu.memref_slice %arg9[%run_scoped3A_15, %dma_wait3A_59] : memref<1x128xi32, #tpu.memory_space<vmem>> -> memref<1x128xi32, #tpu.memory_space<vmem>>
        %dma_wait3A_61 = tpu.memref_squeeze %dma_wait3A_60 : memref<1x128xi32, #tpu.memory_space<vmem>> -> memref<128xi32, #tpu.memory_space<vmem>>
        %dma_wait3A_62 = arith.constant 0 : i32
        %dma_wait3A_63 = tpu.memref_slice %arg4[%add3A_14, %dma_wait3A_62] : memref<2528x128xi32, #tpu.memory_space<hbm>> -> memref<1x128xi32, #tpu.memory_space<hbm>>
        %dma_wait3A_64 = tpu.memref_squeeze %dma_wait3A_63 : memref<1x128xi32, #tpu.memory_space<hbm>> -> memref<128xi32, #tpu.memory_space<hbm>>
        tpu.wait_dma2 semaphore(%run_scoped3A_40 : memref<!tpu.dma_semaphore, #tpu.memory_space<semaphore_mem>>) src(%dma_wait3A_64 : memref<128xi32, #tpu.memory_space<hbm>>) dst(%dma_wait3A_61 : memref<128xi32, #tpu.memory_space<vmem>>)
        tpu.yield
      }) : () -> ()
      %dma_start3A = arith.constant 0 : i32
      %dma_start3A_16 = arith.constant 0 : i32
      %dma_start3A_17 = arith.constant 0 : i32
      %dma_start3A_18 = arith.constant 0 : i32
      %dma_start3A_19 = tpu.memref_slice %arg10[%dma_start3A_16, %dma_start3A_17, %dma_start3A_18] : memref<1x128x128xf32, #tpu.memory_space<vmem>> -> memref<1x128x128xf32, #tpu.memory_space<vmem>>
      %dma_start3A_20 = tpu.memref_squeeze %dma_start3A_19 : memref<1x128x128xf32, #tpu.memory_space<vmem>> -> memref<128x128xf32, #tpu.memory_space<vmem>>
      %dma_start3A_21 = arith.constant 0 : i32
      %dma_start3A_22 = tpu.memref_slice %arg8[%dma_start3A, %dma_start3A_21] : memref<1x128xi32, #tpu.memory_space<vmem>> -> memref<1x128xi32, #tpu.memory_space<vmem>>
      %dma_start3A_23 = tpu.memref_squeeze %dma_start3A_22 : memref<1x128xi32, #tpu.memory_space<vmem>> -> memref<128xi32, #tpu.memory_space<vmem>>
      %dma_start3A_24 = arith.constant 0 : i32
      %dma_start3A_25 = arith.constant 0 : i32
      %dma_start3A_26 = tpu.memref_slice %arg2[%dma_start3A_24, %dma_start3A_25] : memref<10000x128xf32, #tpu.memory_space<hbm>> -> memref<10000x128xf32, #tpu.memory_space<hbm>>
      tpu.enqueue_indirect_dma source(%dma_start3A_26 : memref<10000x128xf32, #tpu.memory_space<hbm>>) target(%dma_start3A_20 : memref<128x128xf32, #tpu.memory_space<vmem>>) offsets(%dma_start3A_23 : memref<128xi32, #tpu.memory_space<vmem>>) semaphore(%arg11 : memref<!tpu.dma_semaphore, #tpu.memory_space<semaphore_mem>>)
      %dma_wait3A = arith.constant 0 : i32
      %dma_wait3A_27 = arith.constant 0 : i32
      %dma_wait3A_28 = arith.constant 0 : i32
      %dma_wait3A_29 = arith.constant 0 : i32
      %dma_wait3A_30 = tpu.memref_slice %arg10[%dma_wait3A_27, %dma_wait3A_28, %dma_wait3A_29] : memref<1x128x128xf32, #tpu.memory_space<vmem>> -> memref<1x128x128xf32, #tpu.memory_space<vmem>>
      %dma_wait3A_31 = tpu.memref_squeeze %dma_wait3A_30 : memref<1x128x128xf32, #tpu.memory_space<vmem>> -> memref<128x128xf32, #tpu.memory_space<vmem>>
      %dma_wait3A_32 = arith.constant 0 : i32
      %dma_wait3A_33 = tpu.memref_slice %arg8[%dma_wait3A, %dma_wait3A_32] : memref<1x128xi32, #tpu.memory_space<vmem>> -> memref<1x128xi32, #tpu.memory_space<vmem>>
      %dma_wait3A_34 = tpu.memref_squeeze %dma_wait3A_33 : memref<1x128xi32, #tpu.memory_space<vmem>> -> memref<128xi32, #tpu.memory_space<vmem>>
      %dma_wait3A_35 = arith.constant 0 : i32
      %dma_wait3A_36 = arith.constant 0 : i32
      %dma_wait3A_37 = tpu.memref_slice %arg2[%dma_wait3A_35, %dma_wait3A_36] : memref<10000x128xf32, #tpu.memory_space<hbm>> -> memref<10000x128xf32, #tpu.memory_space<hbm>>
      tpu.wait_indirect_dma semaphore(%arg11 : memref<!tpu.dma_semaphore, #tpu.memory_space<semaphore_mem>>) src(%dma_wait3A_37 : memref<10000x128xf32, #tpu.memory_space<hbm>>) dst(%dma_wait3A_31 : memref<128x128xf32, #tpu.memory_space<vmem>>)
      %run_scoped3A_38 = arith.constant 0 : i32
      %run_scoped3A_39 = arith.constant 0 : i32
      "tpu.region"() ({
        %run_scoped3A_40 = tpu.sem_alloc : memref<!tpu.dma_semaphore, #tpu.memory_space<semaphore_mem>>
        %dma_start3A_41 = arith.constant 0 : i32
        %dma_start3A_42 = arith.constant 0 : i32
        %dma_start3A_43 = tpu.memref_slice %arg10[%run_scoped3A_38, %dma_start3A_41, %dma_start3A_42] : memref<1x128x128xf32, #tpu.memory_space<vmem>> -> memref<1x128x128xf32, #tpu.memory_space<vmem>>
        %dma_start3A_44 = tpu.memref_squeeze %dma_start3A_43 : memref<1x128x128xf32, #tpu.memory_space<vmem>> -> memref<128x128xf32, #tpu.memory_space<vmem>>
        %dma_start3A_45 = arith.constant 0 : i32
        %dma_start3A_46 = tpu.memref_slice %arg9[%run_scoped3A_39, %dma_start3A_45] : memref<1x128xi32, #tpu.memory_space<vmem>> -> memref<1x128xi32, #tpu.memory_space<vmem>>
        %dma_start3A_47 = tpu.memref_squeeze %dma_start3A_46 : memref<1x128xi32, #tpu.memory_space<vmem>> -> memref<128xi32, #tpu.memory_space<vmem>>
        %dma_start3A_48 = arith.constant 0 : i32
        %dma_start3A_49 = arith.constant 0 : i32
        %dma_start3A_50 = tpu.memref_slice %arg7[%dma_start3A_48, %dma_start3A_49] : memref<10016x128xf32, #tpu.memory_space<vmem_shared>> -> memref<10016x128xf32, #tpu.memory_space<vmem_shared>>
        tpu.enqueue_indirect_dma source(%dma_start3A_44 : memref<128x128xf32, #tpu.memory_space<vmem>>) target(%dma_start3A_50 : memref<10016x128xf32, #tpu.memory_space<vmem_shared>>) offsets(%dma_start3A_47 : memref<128xi32, #tpu.memory_space<vmem>>) semaphore(%run_scoped3A_40 : memref<!tpu.dma_semaphore, #tpu.memory_space<semaphore_mem>>) {add = true}
        %dma_wait3A_51 = arith.constant 0 : i32
        %dma_wait3A_52 = arith.constant 0 : i32
        %dma_wait3A_53 = tpu.memref_slice %arg10[%run_scoped3A_38, %dma_wait3A_51, %dma_wait3A_52] : memref<1x128x128xf32, #tpu.memory_space<vmem>> -> memref<1x128x128xf32, #tpu.memory_space<vmem>>
        %dma_wait3A_54 = tpu.memref_squeeze %dma_wait3A_53 : memref<1x128x128xf32, #tpu.memory_space<vmem>> -> memref<128x128xf32, #tpu.memory_space<vmem>>
        %dma_wait3A_55 = arith.constant 0 : i32
        %dma_wait3A_56 = tpu.memref_slice %arg9[%run_scoped3A_39, %dma_wait3A_55] : memref<1x128xi32, #tpu.memory_space<vmem>> -> memref<1x128xi32, #tpu.memory_space<vmem>>
        %dma_wait3A_57 = tpu.memref_squeeze %dma_wait3A_56 : memref<1x128xi32, #tpu.memory_space<vmem>> -> memref<128xi32, #tpu.memory_space<vmem>>
        %dma_wait3A_58 = arith.constant 0 : i32
        %dma_wait3A_59 = arith.constant 0 : i32
        %dma_wait3A_60 = tpu.memref_slice %arg7[%dma_wait3A_58, %dma_wait3A_59] : memref<10016x128xf32, #tpu.memory_space<vmem_shared>> -> memref<10016x128xf32, #tpu.memory_space<vmem_shared>>
        tpu.wait_indirect_dma semaphore(%run_scoped3A_40 : memref<!tpu.dma_semaphore, #tpu.memory_space<semaphore_mem>>) src(%dma_wait3A_54 : memref<128x128xf32, #tpu.memory_space<vmem>>) dst(%dma_wait3A_60 : memref<10016x128xf32, #tpu.memory_space<vmem_shared>>)
        tpu.yield
      }) : () -> ()
    }
    %scan3A_7 = arith.constant 79 : i32
    %barrier3A_8 = arith.constant 0 : index
    tpu.barrier barrier_id(%barrier3A_8)
    %mul3A_9 = arith.constant 626 : i32
    %mul3A_10 = arith.muli %arg1, %mul3A_9 : i32
    "tpu.region"() ({
      %run_scoped3A = tpu.sem_alloc : memref<!tpu.dma_semaphore, #tpu.memory_space<semaphore_mem>>
      %dma_start3A = arith.constant 0 : i32
      %dma_start3A_11 = arith.constant 0 : i32
      %dma_start3A_12 = tpu.memref_slice %arg6[%arg0, %arg1, %dma_start3A, %dma_start3A_11] : memref<2x16x626x128xf32, #tpu.memory_space<hbm>> -> memref<1x1x626x128xf32, #tpu.memory_space<hbm>>
      %dma_start3A_13 = tpu.memref_squeeze %dma_start3A_12 : memref<1x1x626x128xf32, #tpu.memory_space<hbm>> -> memref<626x128xf32, #tpu.memory_space<hbm>>
      %dma_start3A_14 = arith.constant 0 : i32
      %dma_start3A_15 = tpu.memref_slice %arg7[%mul3A_10, %dma_start3A_14] : memref<10016x128xf32, #tpu.memory_space<vmem_shared>> -> memref<626x128xf32, #tpu.memory_space<vmem_shared>>
      tpu.enqueue_dma source(%dma_start3A_15 : memref<626x128xf32, #tpu.memory_space<vmem_shared>>) target(%dma_start3A_13 : memref<626x128xf32, #tpu.memory_space<hbm>>) target_semaphore(%run_scoped3A : memref<!tpu.dma_semaphore, #tpu.memory_space<semaphore_mem>>)
      %dma_wait3A = arith.constant 0 : i32
      %dma_wait3A_16 = arith.constant 0 : i32
      %dma_wait3A_17 = tpu.memref_slice %arg6[%arg0, %arg1, %dma_wait3A, %dma_wait3A_16] : memref<2x16x626x128xf32, #tpu.memory_space<hbm>> -> memref<1x1x626x128xf32, #tpu.memory_space<hbm>>
      %dma_wait3A_18 = tpu.memref_squeeze %dma_wait3A_17 : memref<1x1x626x128xf32, #tpu.memory_space<hbm>> -> memref<626x128xf32, #tpu.memory_space<hbm>>
      %dma_wait3A_19 = arith.constant 0 : i32
      %dma_wait3A_20 = tpu.memref_slice %arg7[%mul3A_10, %dma_wait3A_19] : memref<10016x128xf32, #tpu.memory_space<vmem_shared>> -> memref<626x128xf32, #tpu.memory_space<vmem_shared>>
      tpu.wait_dma2 semaphore(%run_scoped3A : memref<!tpu.dma_semaphore, #tpu.memory_space<semaphore_mem>>) src(%dma_wait3A_20 : memref<626x128xf32, #tpu.memory_space<vmem_shared>>) dst(%dma_wait3A_18 : memref<626x128xf32, #tpu.memory_space<hbm>>)
      tpu.yield
    }) : () -> ()
    return
  }
}

module attributes {stable_mosaic.version = 14 : i64} {
  func.func @_pro_body(%arg0: i32, %arg1: memref<2x1000x128xf32, #tpu.memory_space<vmem>>, %arg2: memref<1000x128xf32, #tpu.memory_space<vmem>>, %arg3: memref<1000x128xf32, #tpu.memory_space<vmem>>, %arg4: memref<1000x128xf32, #tpu.memory_space<vmem>>) attributes {dimension_semantics = [#tpu.dimension_semantics<arbitrary>], iteration_bounds = array<i64: 10>, scalar_prefetch = 0 : i64, scratch_operands = 0 : i64, tpu.core_type = #tpu.core_type<tc>, window_params = [{transform_indices = @transform_0, window_bounds = array<i64: 2, 1000, 128>}, {transform_indices = @transform_1, window_bounds = array<i64: 1000, 128>}, {transform_indices = @transform_2, window_bounds = array<i64: 1000, 128>}, {transform_indices = @transform_3, window_bounds = array<i64: 1000, 128>}]} {
    %get3A = arith.constant 0 : index
    %get3A_0 = arith.constant 0 : index
    %get3A_1 = arith.constant 0 : index
    %get3A_2 = vector.load %arg1[%get3A, %get3A_0, %get3A_1] : memref<2x1000x128xf32, #tpu.memory_space<vmem>>, vector<1x1000x1xf32>
    %get3A_3 = vector.shape_cast %get3A_2 : vector<1x1000x1xf32> to vector<1000x1xf32>
    %get3A_4 = arith.constant 1 : index
    %get3A_5 = arith.constant 0 : index
    %get3A_6 = arith.constant 0 : index
    %get3A_7 = vector.load %arg1[%get3A_4, %get3A_5, %get3A_6] : memref<2x1000x128xf32, #tpu.memory_space<vmem>>, vector<1x1000x1xf32>
    %get3A_8 = vector.shape_cast %get3A_7 : vector<1x1000x1xf32> to vector<1000x1xf32>
    %add3A = arith.addf %get3A_3, %get3A_8 : vector<1000x1xf32>
    %add3A_9 = arith.constant 1.000000e+00 : f32
    %add3A_10 = vector.broadcast %add3A_9 : f32 to vector<1000x1xf32>
    %add3A_11 = arith.addf %add3A, %add3A_10 : vector<1000x1xf32>
    %rsqrt3A = math.rsqrt %add3A_11 : vector<1000x1xf32>
    %broadcast_in_dim3A = vector.shape_cast %rsqrt3A : vector<1000x1xf32> to vector<1000x1xf32>
    %broadcast_in_dim3A_12 = vector.broadcast %broadcast_in_dim3A : vector<1000x1xf32> to vector<1000x128xf32>
    %swap3A = arith.constant 0 : index
    %swap3A_13 = arith.constant 0 : index
    %swap3A_14 = vector.load %arg3[%swap3A, %swap3A_13] : memref<1000x128xf32, #tpu.memory_space<vmem>>, vector<1000x128xf32>
    tpu.vector_store %arg3[%swap3A, %swap3A_13], %broadcast_in_dim3A_12 {strides = array<i32>} : memref<1000x128xf32, #tpu.memory_space<vmem>>, vector<1000x128xf32>,
    %get3A_15 = arith.constant 0 : index
    %get3A_16 = arith.constant 0 : index
    %get3A_17 = vector.load %arg2[%get3A_15, %get3A_16] : memref<1000x128xf32, #tpu.memory_space<vmem>>, vector<1000x128xf32>
    %mul3A = arith.mulf %get3A_17, %broadcast_in_dim3A_12 : vector<1000x128xf32>
    %swap3A_18 = arith.constant 0 : index
    %swap3A_19 = arith.constant 0 : index
    %swap3A_20 = vector.load %arg4[%swap3A_18, %swap3A_19] : memref<1000x128xf32, #tpu.memory_space<vmem>>, vector<1000x128xf32>
    tpu.vector_store %arg4[%swap3A_18, %swap3A_19], %mul3A {strides = array<i32>} : memref<1000x128xf32, #tpu.memory_space<vmem>>, vector<1000x128xf32>,
    return
  }
  func.func @transform_0(%arg0: i32) -> (i32, i32, i32) {
    %c0_i32 = arith.constant 0 : i32
    %c0_i32_0 = arith.constant 0 : i32
    %c0_i32_1 = arith.constant 0 : i32
    return %c0_i32, %arg0, %c0_i32_0 : i32, i32, i32
  }
  func.func @transform_1(%arg0: i32) -> (i32, i32) {
    %c0_i32 = arith.constant 0 : i32
    %c0_i32_0 = arith.constant 0 : i32
    return %arg0, %c0_i32 : i32, i32
  }
  func.func @transform_2(%arg0: i32) -> (i32, i32) {
    %c0_i32 = arith.constant 0 : i32
    %c0_i32_0 = arith.constant 0 : i32
    return %arg0, %c0_i32 : i32, i32
  }
  func.func @transform_3(%arg0: i32) -> (i32, i32) {
    %c0_i32 = arith.constant 0 : i32
    %c0_i32_0 = arith.constant 0 : i32
    return %arg0, %c0_i32 : i32, i32
  }
}

module attributes {stable_mosaic.version = 14 : i64} {
  func.func @_layer_body(%arg0: i32, %arg1: memref<2x1000x128xf32, #tpu.memory_space<vmem>>, %arg2: memref<1000x128xf32, #tpu.memory_space<vmem>>, %arg3: memref<1000x128xf32, #tpu.memory_space<vmem>>, %arg4: memref<128x128xf32, #tpu.memory_space<vmem>>, %arg5: memref<1x128xf32, #tpu.memory_space<vmem>>, %arg6: memref<1000x128xf32, #tpu.memory_space<vmem>>, %arg7: memref<1000x128xf32, #tpu.memory_space<vmem>>) attributes {dimension_semantics = [#tpu.dimension_semantics<arbitrary>], iteration_bounds = array<i64: 10>, scalar_prefetch = 0 : i64, scratch_operands = 0 : i64, tpu.core_type = #tpu.core_type<tc>, window_params = [{transform_indices = @transform_0, window_bounds = array<i64: 2, 1000, 128>}, {transform_indices = @transform_1, window_bounds = array<i64: 1000, 128>}, {transform_indices = @transform_2, window_bounds = array<i64: 1000, 128>}, {pipeline_mode = #tpu.pipeline_mode<synchronous>, transform_indices = @transform_3, window_bounds = array<i64: 128, 128>}, {pipeline_mode = #tpu.pipeline_mode<synchronous>, transform_indices = @transform_4, window_bounds = array<i64: 1, 128>}, {transform_indices = @transform_5, window_bounds = array<i64: 1000, 128>}, {transform_indices = @transform_6, window_bounds = array<i64: 1000, 128>}]} {
    %get3A = arith.constant 0 : index
    %get3A_0 = arith.constant 0 : index
    %get3A_1 = vector.load %arg3[%get3A, %get3A_0] : memref<1000x128xf32, #tpu.memory_space<vmem>>, vector<1000x128xf32>
    %get3A_2 = arith.constant 0 : index
    %get3A_3 = arith.constant 0 : index
    %get3A_4 = vector.load %arg2[%get3A_2, %get3A_3] : memref<1000x128xf32, #tpu.memory_space<vmem>>, vector<1000x128xf32>
    %get3A_5 = arith.constant 0 : index
    %get3A_6 = arith.constant 0 : index
    %get3A_7 = arith.constant 0 : index
    %get3A_8 = vector.load %arg1[%get3A_5, %get3A_6, %get3A_7] : memref<2x1000x128xf32, #tpu.memory_space<vmem>>, vector<1x1000x128xf32>
    %get3A_9 = vector.shape_cast %get3A_8 : vector<1x1000x128xf32> to vector<1000x128xf32>
    %get3A_10 = arith.constant 1 : index
    %get3A_11 = arith.constant 0 : index
    %get3A_12 = arith.constant 0 : index
    %get3A_13 = vector.load %arg1[%get3A_10, %get3A_11, %get3A_12] : memref<2x1000x128xf32, #tpu.memory_space<vmem>>, vector<1x1000x128xf32>
    %get3A_14 = vector.shape_cast %get3A_13 : vector<1x1000x128xf32> to vector<1000x128xf32>
    %add3A = arith.addf %get3A_9, %get3A_14 : vector<1000x128xf32>
    %mul3A = arith.mulf %get3A_1, %add3A : vector<1000x128xf32>
    %mul3A_15 = arith.mulf %get3A_4, %get3A_1 : vector<1000x128xf32>
    %mul3A_16 = arith.mulf %mul3A_15, %get3A_1 : vector<1000x128xf32>
    %add3A_17 = arith.addf %mul3A, %mul3A_16 : vector<1000x128xf32>
    %get3A_18 = arith.constant 0 : index
    %get3A_19 = arith.constant 0 : index
    %get3A_20 = vector.load %arg4[%get3A_18, %get3A_19] : memref<128x128xf32, #tpu.memory_space<vmem>>, vector<128x128xf32>
    %dot_general3A = arith.constant dense<0.000000e+00> : vector<1000x128xf32>
    %dot_general3A_21 = tpu.matmul %add3A_17, %get3A_20, %dot_general3A {dimension_numbers = #tpu.dot_dimension_numbers<[1], [0], [0], [1], [0, 0, 1, 1], [], []>, transpose_lhs_hint = false} : vector<1000x128xf32>, vector<128x128xf32>, vector<1000x128xf32> -> vector<1000x128xf32>
    %get3A_22 = arith.constant 0 : index
    %get3A_23 = arith.constant 0 : index
    %get3A_24 = vector.load %arg5[%get3A_22, %get3A_23] : memref<1x128xf32, #tpu.memory_space<vmem>>, vector<1x128xf32>
    %add3A_25 = vector.broadcast %get3A_24 : vector<1x128xf32> to vector<1000x128xf32>
    %add3A_26 = arith.addf %dot_general3A_21, %add3A_25 : vector<1000x128xf32>
    %max3A = arith.constant 0.000000e+00 : f32
    %max3A_27 = vector.broadcast %max3A : f32 to vector<1000x128xf32>
    %max3A_28 = arith.maximumf %add3A_26, %max3A_27 : vector<1000x128xf32>
    %swap3A = arith.constant 0 : index
    %swap3A_29 = arith.constant 0 : index
    %swap3A_30 = vector.load %arg6[%swap3A, %swap3A_29] : memref<1000x128xf32, #tpu.memory_space<vmem>>, vector<1000x128xf32>
    tpu.vector_store %arg6[%swap3A, %swap3A_29], %max3A_28 {strides = array<i32>} : memref<1000x128xf32, #tpu.memory_space<vmem>>, vector<1000x128xf32>,
    %mul3A_31 = arith.mulf %max3A_28, %get3A_1 : vector<1000x128xf32>
    %swap3A_32 = arith.constant 0 : index
    %swap3A_33 = arith.constant 0 : index
    %swap3A_34 = vector.load %arg7[%swap3A_32, %swap3A_33] : memref<1000x128xf32, #tpu.memory_space<vmem>>, vector<1000x128xf32>
    tpu.vector_store %arg7[%swap3A_32, %swap3A_33], %mul3A_31 {strides = array<i32>} : memref<1000x128xf32, #tpu.memory_space<vmem>>, vector<1000x128xf32>,
    return
  }
  func.func @transform_0(%arg0: i32) -> (i32, i32, i32) {
    %c0_i32 = arith.constant 0 : i32
    %c0_i32_0 = arith.constant 0 : i32
    %c0_i32_1 = arith.constant 0 : i32
    return %c0_i32, %arg0, %c0_i32_0 : i32, i32, i32
  }
  func.func @transform_1(%arg0: i32) -> (i32, i32) {
    %c0_i32 = arith.constant 0 : i32
    %c0_i32_0 = arith.constant 0 : i32
    return %arg0, %c0_i32 : i32, i32
  }
  func.func @transform_2(%arg0: i32) -> (i32, i32) {
    %c0_i32 = arith.constant 0 : i32
    %c0_i32_0 = arith.constant 0 : i32
    return %arg0, %c0_i32 : i32, i32
  }
  func.func @transform_3(%arg0: i32) -> (i32, i32) {
    %c0_i32 = arith.constant 0 : i32
    %c0_i32_0 = arith.constant 0 : i32
    %c0_i32_1 = arith.constant 0 : i32
    return %c0_i32, %c0_i32_0 : i32, i32
  }
  func.func @transform_4(%arg0: i32) -> (i32, i32) {
    %c0_i32 = arith.constant 0 : i32
    %c0_i32_0 = arith.constant 0 : i32
    %c0_i32_1 = arith.constant 0 : i32
    return %c0_i32, %c0_i32_0 : i32, i32
  }
  func.func @transform_5(%arg0: i32) -> (i32, i32) {
    %c0_i32 = arith.constant 0 : i32
    %c0_i32_0 = arith.constant 0 : i32
    return %arg0, %c0_i32 : i32, i32
  }
  func.func @transform_6(%arg0: i32) -> (i32, i32) {
    %c0_i32 = arith.constant 0 : i32
    %c0_i32_0 = arith.constant 0 : i32
    return %arg0, %c0_i32 : i32, i32
  }
}

module attributes {stable_mosaic.version = 14 : i64} {
  func.func @_final_body(%arg0: i32, %arg1: memref<2x1000x128xf32, #tpu.memory_space<vmem>>, %arg2: memref<1000x128xf32, #tpu.memory_space<vmem>>, %arg3: memref<1000x128xf32, #tpu.memory_space<vmem>>, %arg4: memref<128x128xf32, #tpu.memory_space<vmem>>, %arg5: memref<1x128xf32, #tpu.memory_space<vmem>>, %arg6: memref<1000x128xf32, #tpu.memory_space<vmem>>) attributes {dimension_semantics = [#tpu.dimension_semantics<arbitrary>], iteration_bounds = array<i64: 10>, scalar_prefetch = 0 : i64, scratch_operands = 0 : i64, tpu.core_type = #tpu.core_type<tc>, window_params = [{transform_indices = @transform_0, window_bounds = array<i64: 2, 1000, 128>}, {transform_indices = @transform_1, window_bounds = array<i64: 1000, 128>}, {transform_indices = @transform_2, window_bounds = array<i64: 1000, 128>}, {pipeline_mode = #tpu.pipeline_mode<synchronous>, transform_indices = @transform_3, window_bounds = array<i64: 128, 128>}, {pipeline_mode = #tpu.pipeline_mode<synchronous>, transform_indices = @transform_4, window_bounds = array<i64: 1, 128>}, {transform_indices = @transform_5, window_bounds = array<i64: 1000, 128>}]} {
    %get3A = arith.constant 0 : index
    %get3A_0 = arith.constant 0 : index
    %get3A_1 = vector.load %arg3[%get3A, %get3A_0] : memref<1000x128xf32, #tpu.memory_space<vmem>>, vector<1000x128xf32>
    %get3A_2 = arith.constant 0 : index
    %get3A_3 = arith.constant 0 : index
    %get3A_4 = vector.load %arg2[%get3A_2, %get3A_3] : memref<1000x128xf32, #tpu.memory_space<vmem>>, vector<1000x128xf32>
    %get3A_5 = arith.constant 0 : index
    %get3A_6 = arith.constant 0 : index
    %get3A_7 = arith.constant 0 : index
    %get3A_8 = vector.load %arg1[%get3A_5, %get3A_6, %get3A_7] : memref<2x1000x128xf32, #tpu.memory_space<vmem>>, vector<1x1000x128xf32>
    %get3A_9 = vector.shape_cast %get3A_8 : vector<1x1000x128xf32> to vector<1000x128xf32>
    %get3A_10 = arith.constant 1 : index
    %get3A_11 = arith.constant 0 : index
    %get3A_12 = arith.constant 0 : index
    %get3A_13 = vector.load %arg1[%get3A_10, %get3A_11, %get3A_12] : memref<2x1000x128xf32, #tpu.memory_space<vmem>>, vector<1x1000x128xf32>
    %get3A_14 = vector.shape_cast %get3A_13 : vector<1x1000x128xf32> to vector<1000x128xf32>
    %add3A = arith.addf %get3A_9, %get3A_14 : vector<1000x128xf32>
    %mul3A = arith.mulf %get3A_1, %add3A : vector<1000x128xf32>
    %mul3A_15 = arith.mulf %get3A_4, %get3A_1 : vector<1000x128xf32>
    %mul3A_16 = arith.mulf %mul3A_15, %get3A_1 : vector<1000x128xf32>
    %add3A_17 = arith.addf %mul3A, %mul3A_16 : vector<1000x128xf32>
    %get3A_18 = arith.constant 0 : index
    %get3A_19 = arith.constant 0 : index
    %get3A_20 = vector.load %arg4[%get3A_18, %get3A_19] : memref<128x128xf32, #tpu.memory_space<vmem>>, vector<128x128xf32>
    %dot_general3A = arith.constant dense<0.000000e+00> : vector<1000x128xf32>
    %dot_general3A_21 = tpu.matmul %add3A_17, %get3A_20, %dot_general3A {dimension_numbers = #tpu.dot_dimension_numbers<[1], [0], [0], [1], [0, 0, 1, 1], [], []>, transpose_lhs_hint = false} : vector<1000x128xf32>, vector<128x128xf32>, vector<1000x128xf32> -> vector<1000x128xf32>
    %get3A_22 = arith.constant 0 : index
    %get3A_23 = arith.constant 0 : index
    %get3A_24 = vector.load %arg5[%get3A_22, %get3A_23] : memref<1x128xf32, #tpu.memory_space<vmem>>, vector<1x128xf32>
    %add3A_25 = vector.broadcast %get3A_24 : vector<1x128xf32> to vector<1000x128xf32>
    %add3A_26 = arith.addf %dot_general3A_21, %add3A_25 : vector<1000x128xf32>
    %iota3A = tpu.iota {dimensions = array<i32: 1>} : vector<1000x128xi32>
    %lt3A = arith.constant 40 : i32
    %lt3A_27 = vector.broadcast %lt3A : i32 to vector<1000x128xi32>
    %lt3A_28 = arith.cmpi slt, %iota3A, %lt3A_27 : vector<1000x128xi32>
    %jit3A = arith.constant -1.000000e+30 : f32
    %broadcast_in_dim3A = vector.broadcast %jit3A : f32 to vector<1000x128xf32>
    %select_n3A = arith.select %lt3A_28, %add3A_26, %broadcast_in_dim3A : vector<1000x128xi1>, vector<1000x128xf32>
    %reduce_max3A = arith.constant dense<0xFF800000> : vector<1000xf32>
    %reduce_max3A_29 = vector.multi_reduction <maximumf>, %select_n3A, %reduce_max3A [1] : vector<1000x128xf32> to vector<1000xf32>
    %broadcast_in_dim3A_30 = vector.shape_cast %reduce_max3A_29 : vector<1000xf32> to vector<1000x1xf32>
    %sub3A = vector.broadcast %broadcast_in_dim3A_30 : vector<1000x1xf32> to vector<1000x128xf32>
    %sub3A_31 = arith.subf %select_n3A, %sub3A : vector<1000x128xf32>
    %exp3A = math.exp %sub3A_31 : vector<1000x128xf32>
    %reduce_sum3A = arith.constant dense<0.000000e+00> : vector<1000xf32>
    %reduce_sum3A_32 = vector.multi_reduction <add>, %exp3A, %reduce_sum3A [1] : vector<1000x128xf32> to vector<1000xf32>
    %broadcast_in_dim3A_33 = vector.shape_cast %reduce_sum3A_32 : vector<1000xf32> to vector<1000x1xf32>
    %sub3A_34 = vector.broadcast %broadcast_in_dim3A_30 : vector<1000x1xf32> to vector<1000x128xf32>
    %sub3A_35 = arith.subf %add3A_26, %sub3A_34 : vector<1000x128xf32>
    %log3A = math.log %broadcast_in_dim3A_33 : vector<1000x1xf32>
    %sub3A_36 = vector.broadcast %log3A : vector<1000x1xf32> to vector<1000x128xf32>
    %sub3A_37 = arith.subf %sub3A_35, %sub3A_36 : vector<1000x128xf32>
    %swap3A = arith.constant 0 : index
    %swap3A_38 = arith.constant 0 : index
    %swap3A_39 = vector.load %arg6[%swap3A, %swap3A_38] : memref<1000x128xf32, #tpu.memory_space<vmem>>, vector<1000x128xf32>
    tpu.vector_store %arg6[%swap3A, %swap3A_38], %sub3A_37 {strides = array<i32>} : memref<1000x128xf32, #tpu.memory_space<vmem>>, vector<1000x128xf32>,
    return
  }
  func.func @transform_0(%arg0: i32) -> (i32, i32, i32) {
    %c0_i32 = arith.constant 0 : i32
    %c0_i32_0 = arith.constant 0 : i32
    %c0_i32_1 = arith.constant 0 : i32
    return %c0_i32, %arg0, %c0_i32_0 : i32, i32, i32
  }
  func.func @transform_1(%arg0: i32) -> (i32, i32) {
    %c0_i32 = arith.constant 0 : i32
    %c0_i32_0 = arith.constant 0 : i32
    return %arg0, %c0_i32 : i32, i32
  }
  func.func @transform_2(%arg0: i32) -> (i32, i32) {
    %c0_i32 = arith.constant 0 : i32
    %c0_i32_0 = arith.constant 0 : i32
    return %arg0, %c0_i32 : i32, i32
  }
  func.func @transform_3(%arg0: i32) -> (i32, i32) {
    %c0_i32 = arith.constant 0 : i32
    %c0_i32_0 = arith.constant 0 : i32
    %c0_i32_1 = arith.constant 0 : i32
    return %c0_i32, %c0_i32_0 : i32, i32
  }
  func.func @transform_4(%arg0: i32) -> (i32, i32) {
    %c0_i32 = arith.constant 0 : i32
    %c0_i32_0 = arith.constant 0 : i32
    %c0_i32_1 = arith.constant 0 : i32
    return %c0_i32, %c0_i32_0 : i32, i32
  }
  func.func @transform_5(%arg0: i32) -> (i32, i32) {
    %c0_i32 = arith.constant 0 : i32
    %c0_i32_0 = arith.constant 0 : i32
    return %arg0, %c0_i32 : i32, i32
  }
}

</mosaic_0001>

<sc_bundles>
// kernel: kernel.12.cloned.1.call-start
scs
__scs_entry_jumppad:
0x0: {  	(pc) =	sbr.rel $0x88, $3  }
0x1: {  	(tag) =	ssettag $0x0;
	lr =	simm.s32 $0x1  }
0x2: {  	[smem:$0x3F97] =	sst lr;
	_ =	strace $0xD0000000  }
0x3: {  	_ = 	snop  }
0x4: {  	_ = 	snop  }
0x5: {  	_ = 	snop  }
0x6: {  	_ = 	snop  }
0x7: {  	_ = 	snop  }
__scs_overlays_trampoline_lowered:
0x8: {  	[smem:$0x3FA6] =	sst s0  }
0x9: {  	[smem:$0x3FA7] =	sst s1  }
0xa: {  	[smem:$0x3FA8] =	sst s2  }
0xb: {  	[smem:$0x3FA9] =	sst s3  }
0xc: {  	[smem:$0x3FAA] =	sst s4  }
0xd: {  	[smem:$0x3FAB] =	sst s5  }
0xe: {  	[smem:$0x3FAC] =	sst s6  }
0xf: {  	[smem:$0x3FAD] =	sst s7  }
0x10: {  	[smem:$0x3FAE] =	sst s8  }
0x11: {  	[smem:$0x3FAF] =	sst s9;
	s0 =	simm.s32 @!p0 $0x0  }
0x12: {  	s1 =	sld [smem:$0x3F95];
	s0 =	simm.s32 @p0 $0x1  }
0x13: {  	[smem:$0x3FB0] =	sst s0;
	s0 =	simm.s32 @!p1 $0x0  }
0x14: {  	s2 =	sld [smem:$0x3F94];
	s0 =	simm.s32 @p1 $0x1  }
0x15: {  	[smem:$0x3FB1] =	sst s0;
	s0 =	simm.s32 @!p2 $0x0  }
0x16: {  	s3 =	sld [smem:$0x3FDB];
	s0 =	simm.s32 @p2 $0x1  }
0x17: {  	s4 =	simm.s32 $0x1BF5;
	[smem:$0x3FB3] =	sst s0  }
0x18: {  	s0 =	sld [smem:$0x3F96];
	_ =	swait.ge [sflag:s4], $0x0  }
0x19: {  	s7 =	sld [smem:$0x3F97]  }
0x1a: {  	s8 =	sadd.s32 $0xFFFFE003, lr  }
0x1b: {  	s9 =	sadd.s32 $0xFFFFFEF7, lr;
	s5 =	simm.s32 $0xFFFFFFFF;
	p2 =	slt.u32 s8, $0xFFFFF086  }
0x1c: {  	p1 =	slt.u32 s9, $0xF7A;
	s5 =	simm.s32 @!p2 $0x0  }
0x1d: {  	s5 =	simm.s32 @p1 $0x1;
	p0 =	seq.s32 s7, s2  }
0x1e: {  	s7 =	smul.u32 @!p0 $0xF7A, s2;
	p2 =	seq.s32 @!p0 s5, $0x0  }
0x1f: {  	s9 =	smul.u32 $0xF7A, s1;
	s8 =	simm.s32 @!p0 $0x1BF5;
	p2 =	por !p2, p0  }
0x20: {  	[sflag:s8] =	ssyncset.s32 @!p0 $0xFFFFF086;
	s6 =	sadd.s32 @!p0 s3, s7;
	s7 =	simm.s32 @!p0 $0x108  }
0x21: {  	s3 =	sadd.s32 s3, s9;
	s6 =	sadd.s32 @!p0 $0x88, s6;
	s7 =	simm.s32 @p2 $0x1082  }
0x22: {  	[simem:s7], [sflag:s8] =	dma.local @!p0 [hbm:s6], $0xF7A  }
0x23: {  	s9 =	sor.u32 $0xD0000000, s2;
	s6 =	simm.s32 $0x108;
	_ =	swait.ge @!p0 [sflag:s8], $0x0  }
0x24: {  	s3 =	sadd.s32 $0x88, s3;
	s6 =	simm.s32 @!p1 $0x1082;
	[sflag:s4] =	ssyncset.s32 $0xFFFFF086  }
0x25: {  	[simem:s6], [sflag:s4] =	dma.local [hbm:s3], $0xF7A  }
0x26: {  	[smem:$0x3F97] =	sst s1;
	(tag) =	ssettag s2;
	_ =	strace s9  }
0x27: {  	s1 =	sld [smem:$0x3FA7]  }
0x28: {  	s2 =	sld [smem:$0x3FA8]  }
0x29: {  	s4 =	sld [smem:$0x3FAA]  }
0x2a: {  	p0 =	seq.s32 s5, $0x0;
	s5 =	sld [smem:$0x3FAB]  }
0x2b: {  	s6 =	sld [smem:$0x3FAC]  }
0x2c: {  	s7 =	sld [smem:$0x3FAD]  }
0x2d: {  	s3 =	simm.s32 $0x108;
	s8 =	sld [smem:$0x3FAE]  }
0x2e: {  	s3 =	simm.s32 @!p0 $0x1082;
	s9 =	sld [smem:$0x3FAF]  }
0x2f: {  	lr =	sadd.s32 s0, s3;
	s0 =	sld [smem:$0x3FA6]  }
0x30: {  	s3 =	sld [smem:$0x3FA9]  }
0x31: {  	[smem:$0x3FB2] =	sst s10  }
0x32: {  	s10 =	sld [smem:$0x3FB0];
	_ =	sdelay $0x3  }
0x33: {  	p0 =	seq.s32 s10, $0x1;
	s10 =	sld [smem:$0x3FB2];
	_ =	sdelay $0x3  }
0x34: {  	[smem:$0x3FB2] =	sst s10  }
0x35: {  	s10 =	sld [smem:$0x3FB1];
	_ =	sdelay $0x3  }
0x36: {  	p1 =	seq.s32 s10, $0x1;
	s10 =	sld [smem:$0x3FB2];
	_ =	sdelay $0x3  }
0x37: {  	[smem:$0x3FB2] =	sst s10  }
0x38: {  	s10 =	sld [smem:$0x3FB3]  }
0x39: {  	_ = 	snop;
	(pc) =	sbr.ind lr, $3  }
0x3a: {  	_ = 	snop  }
0x3b: {  	_ = 	snop  }
0x3c: {  	p2 =	seq.s32 s10, $0x1;
	s10 =	sld [smem:$0x3FB2]  }
0x3d: {  	_ =	shalt  }
0x3e: {  	_ =	shalt  }
0x3f: {  	_ =	shalt  }
0x40: {  	_ =	shalt  }
0x41: {  	_ =	shalt  }
0x42: {  	_ =	shalt  }
0x43: {  	_ =	shalt  }
0x44: {  	_ =	shalt  }
0x45: {  	_ =	shalt  }
0x46: {  	_ =	shalt  }
0x47: {  	_ =	shalt  }
0x48: {  	_ =	shalt  }
0x49: {  	_ =	shalt  }
0x4a: {  	_ =	shalt  }
0x4b: {  	_ =	shalt  }
0x4c: {  	_ =	shalt  }
0x4d: {  	_ =	shalt  }
0x4e: {  	_ =	shalt  }
0x4f: {  	_ =	shalt  }
0x50: {  	_ =	shalt  }
0x51: {  	_ =	shalt  }
0x52: {  	_ =	shalt  }
0x53: {  	_ =	shalt  }
0x54: {  	_ =	shalt  }
0x55: {  	_ =	shalt  }
0x56: {  	_ =	shalt  }
0x57: {  	_ =	shalt  }
0x58: {  	_ =	shalt  }
0x59: {  	_ =	shalt  }
0x5a: {  	_ =	shalt  }
0x5b: {  	_ =	shalt  }
0x5c: {  	_ =	shalt  }
0x5d: {  	_ =	shalt  }
0x5e: {  	_ =	shalt  }
0x5f: {  	_ =	shalt  }
0x60: {  	_ =	shalt  }
0x61: {  	_ =	shalt  }
0x62: {  	_ =	shalt  }
0x63: {  	_ =	shalt  }
0x64: {  	_ =	shalt  }
0x65: {  	_ =	shalt  }
0x66: {  	_ =	shalt  }
0x67: {  	_ =	shalt  }
0x68: {  	_ =	shalt  }
0x69: {  	_ =	shalt  }
0x6a: {  	_ =	shalt  }
0x6b: {  	_ =	shalt  }
0x6c: {  	_ =	shalt  }
0x6d: {  	_ =	shalt  }
0x6e: {  	_ =	shalt  }
0x6f: {  	_ =	shalt  }
0x70: {  	_ =	shalt  }
0x71: {  	_ =	shalt  }
0x72: {  	_ =	shalt  }
0x73: {  	_ =	shalt  }
0x74: {  	_ =	shalt  }
0x75: {  	_ =	shalt  }
0x76: {  	_ =	shalt  }
0x77: {  	_ =	shalt  }
0x78: {  	_ =	shalt  }
0x79: {  	_ =	shalt  }
0x7a: {  	_ =	shalt  }
0x7b: {  	_ =	shalt  }
0x7c: {  	_ =	shalt  }
0x7d: {  	_ =	shalt  }
0x7e: {  	_ =	shalt  }
0x7f: {  	_ =	shalt  }
0x80: {  	_ =	shalt  }
0x81: {  	_ =	shalt  }
0x82: {  	_ =	shalt  }
0x83: {  	_ =	shalt  }
0x84: {  	_ =	shalt  }
0x85: {  	_ =	shalt  }
0x86: {  	_ =	shalt  }
0x87: {  	_ =	shalt  }
.Lfunc_end0:
.L_simem_size_0:
called_computation_lowered:
.L_overlay_start_0:
0x88: {  	s2 =	sld [smem:$0x3FD9]  }
0x89: {  	s3 =	sld [smem:$0x3FFE];
	_ =	sdelay $0x1  }
0x8a: {  	s1 =	srdreg.scid  }
0x8b: {  	s0 =	sand.u32 $0x1, s1  }
0x8c: {  	s16 =	sshll.u32 s0, $0xA;
	s2 =	sadd.s32 s3, s2  }
0x8d: {  	s2 =	sadd.s32 s2, s16  }
0x8e: {  	[smem:$0x3FBE] =	sst s2  }
0x8f: {  	_ = 	snop  }
0x90: {  	(tm) =	ssettm $0x1  }
0x91: {  	s17 =	sld [smem:$0x3FFB];
	_ =	sdelay $0x3  }
0x92: {  	_ =	strace s17  }
0x93: {  	s2 =	sld [smem:$0x3FFC];
	_ =	sdelay $0x3  }
0x94: {  	_ =	strace s2  }
0x95: {  	s2 =	sld [smem:$0x3FFD];
	_ =	sdelay $0x3  }
0x96: {  	_ =	strace s2  }
0x97: {  	_ =	strace $0x8FFFFFFF  }
0x98: {  	s18 =	sld [smem:$0x3FDB];
	_ =	sdelay $0x1  }
0x99: {  	s19 =	simm.s32 $_scs_section_size  }
0x9a: {  	s4 =	simm.s32 $_size__tile_overlayer_lowered;
	s5 =	simm.s32 $_tile_overlayer_lowered  }
0x9b: {  	s22 =	simm.s32 $0x1BFF;
	s21 =	sshll.u32 s5, $0x1;
	s2 =	sadd.s32 s19, s18  }
0x9c: {  	s6 =	simm.s32 $0x0;
	s20 =	sshll.u32 s4, $0x1;
	s4 =	sadd.s32 s21, s2  }
0x9d: {  	[timem:s6], [sflag:s22] =	dma.local [hbm:s4], s20  }
0x9e: {  	_ =	swait.ge [sflag:s22], s20  }
0x9f: {  	s3 =	ssub.s32 $0x0, s20;
	[sflag:s22] =	ssyncset.done $0x0  }
0xa0: {  	[sflag:s22] =	ssyncadd.s32 s3;
	_ =	sdelay $0x1  }
0xa1: {  	s23 =	simm.s32 $0x1B8B  }
0xa2: {  	_ =	swait.ge [sflag:s23], $0x1  }
0xa3: {  	[sflag:s23] =	ssyncset.done $0x0  }
0xa4: {  	s25 =	simm.s32 $0x1B8E;
	s24 =	sld [smem:$0x3FFE];
	[sflag:s23] =	ssyncadd.s32 $0xFFFFFFFF  }
0xa5: {  	s26 =	simm.s32 $execute0_lowered;
	[smem:$0x3FD2] =	sst s25  }
0xa6: {  	s4 =	sshll.u32 s26, $0x1;
	_ =	strace $0x80000046;
	[dreg:$0x1] =	wrdreg $0xFFFFFFFF  }
0xa7: {  	s28 =	simm.s32 $_size_execute0_lowered;
	s2 =	sadd.s32 s2, s4;
	[dreg:$0x0] =	wrdreg $0x0  }
0xa8: {  	s4 =	sshll.u32 s28, $0x1;
	[dreg:$0x2] =	wrdreg s2  }
0xa9: {  	[dreg:$0x3] =	wrdreg s4  }
0xaa: {  	[dreg:$0x4] =	wrdreg $0xC0  }
0xab: {  	_ =	task [dreg:s6], $0x5FFFF  }
0xac: {  	[dreg:$0x1] =	wrdreg $0xFFFFFFFF  }
0xad: {  	[dreg:$0x0] =	wrdreg $0x60  }
0xae: {  	[dreg:$0x2] =	wrdreg s24  }
0xaf: {  	[dreg:$0x3] =	wrdreg $0x0  }
0xb0: {  	[dreg:$0x4] =	wrdreg $0x9  }
0xb1: {  	_ =	task.clear_ibuf [dreg:s6], $0x5FFFF;
	_ =	strace $0x90000046  }
0xb2: {  	s29 =	simm.s32 $0x9;
	_ =	strace $0x80000048  }
0xb3: {  	_ =	swait.ge [sflag:s29], $0x1  }
0xb4: {  	[sflag:s29] =	ssyncadd.s32 $0xFFFFFFFF  }
0xb5: {  	_ =	strace $0x90000048  }
0xb6: {  	_ =	sfence  }
0xb7: {  	s30 =	sld [smem:$0x0];
	_ =	sdelay $0x2  }
0xb8: {  	s31 =	sshll.u32 s1, $0xD;
	s1 =	sshrl.u32 s1, $0x2  }
0xb9: {  	s3 =	sand.u32 $0x4000, s31;
	s1 =	sadd.s32 s1, s30  }
0xba: {  	s0 =	sor.u32 s3, s0;
	s1 =	sshll.u32 s1, $0x11  }
0xbb: {  	s0 =	sor.u32 s1, s0  }
0xbc: {  	s0 =	sadd.s32 $0x8F2B, s0  }
0xbd: {  	[sflag:s0] =	ssyncadd.remote.s32 $0x1  }
0xbe: {  	_ =	sfence.sel $0xFFFF  }
0xbf: {  	[dreg:$0x0] =	wrdreg $0xFFFFFFFF;
	(pc) =	sbr.abs _section_cstart, $3  }
0xc0: {  	[dreg:$0x1] =	wrdreg $0xFFFFFFFF  }
0xc1: {  	_ =	task.clear_ibuf [dreg:s6], $0x2FFFF;
	_ =	strace $0x9FFFFFFF  }
0xc2: {  	(tm) =	ssettm $0x7FFFFFFF  }
0xc3: {  	_ =	shalt  }
tec
execute0_lowered:
.L_overlay_start_1:
0x0: {  	(tag) =	ssettag $0x1  }
0x1: {  	s6 =	rddreg [dreg:$0x0];
	s2 =	stileid.u32  }
0x2: {  	s0 =	srdreg.scid;
	s8 =	smul.u32 $0x13C00, s2  }
0x3: {  	s1 =	rddreg [dreg:$0x1];
	s3 =	simm.s32 $0x0;
	s10 =	smul.u32 $0x4E400, s2  }
0x4: {  	s14 =	simm.s32 $0x80;
	s7 =	sand.u32 $0x1, s0;
	s12 =	smul.u32 $0x4F0, s2  }
0x5: {  	s15 =	simm.s32 $0x0;
	s0 =	rddreg [dreg:$0x2];
	s4 =	smul.u32 $0x4F00, s7  }
0x6: {  	[smem:$0x7FF] =	sst s3;
	s5 =	smul.u32 $0x13C000, s7;
	s7 =	ssub.s32 $0x2, s7  }
0x7: {  	s31 =	sshll.u32 s2, $0x6;
	_ =	strace $0x80000047;
	s11 =	sshrl.u32 s7, $0x1  }
0x8: {  	s10 =	sshrl.u32 s10, $0x2;
	s9 =	sadd.s32 s4, s6;
	s4 =	sadd.s32 $0xF600, s6  }
0x9: {  	s8 =	sadd.s32 s8, s5;
	s5 =	sadd.s32 $0xCE00, s6;
	s7 =	ssub.s32 s7, s11  }
0xa: {  	s13 =	sadd.s32 s10, s1;
	s10 =	simm.s32 $0x1;
	s11 =	sor.u32 $0x1C01, s31  }
0xb: {  	s8 =	sshrl.u32 s8, $0x3;
	s7 =	smax.u32 s7, $0x1;
	s30 =	sadd.s32 s12, s9  }
0xc: {  	s9 =	simm.s32 $0x13980;
	s12 =	sshrl.u32 s13, $0x3;
	s6 =	sadd.s32 s8, s6  }
0xd: {  	s13 =	simm.s32 $0x13900;
	s8 =	sadd.s32 $0x3000, s30;
	s6 =	sadd.s32 $0xFE00, s6  }
.LBB2_1:
0xe: {  	[tilespmem:s9], [sflag:$0x1] =	stream.linear.gather [hbm4b:s4+s3], $0x4000, $0x38;
	[tilespmem:$0x17980] =	vst v63  }
0xf: {  	_ =	swait.ge [sflag:s10], $0x4000  }
0x10: {  	[sflag:s10] =	ssyncset.done $0x0  }
0x11: {  	[sflag:s10] =	ssyncadd.s32 $0xFFFFC000  }
0x12: {  	[spmem:s12], [sflag:s11] =	dma.local [hbm:s5], $0x2720  }
0x13: {  	_ =	swait.ge [sflag:s10], $0x2720  }
0x14: {  	[sflag:s10] =	ssyncset.done $0x0  }
0x15: {  	[sflag:s10] =	ssyncadd.s32 $0xFFFFD8E0  }
0x16: {  	s16 =	sadd.s32 $0x0, s8;
	[bflag:$0x0] =	sbarrier.arrive $0xFFFF  }
0x17: {  	[tilespmem:s13], [sflag:$0x1] =	stream.linear.gather [hbm4b:s16+s3], $0x80, $0x38;
	[tilespmem:$0x17980] =	vst v63  }
0x18: {  	_ =	swait.ge [sflag:s10], $0x80  }
0x19: {  	[sflag:s10] =	ssyncset.done $0x0  }
0x1a: {  	[sflag:s10] =	ssyncadd.s32 $0xFFFFFF80  }
0x1b: {  	[spmem:s1] =	stream.indirect.scatter.add.f32 [tilespmem:s9], [sflag:$0x1], $0x80, s13, s14, $0xb8;
	[tilespmem:$0x17980] =	vst v63  }
0x1c: {  	_ =	swait.ge [sflag:s10], $0x4000  }
0x1d: {  	s17 =	simm.s32 $0x20;
	s16 =	simm.s32 $0x10;
	[sflag:s10] =	ssyncset.done $0x0  }
.LBB2_2:
0x1e: {  	s18 =	sadd.s32 s16, s8  }
0x1f: {  	[sflag:s10] =	ssyncadd.s32 $0xFFFFC000;
	s16 =	smov.u32 s17;
	s19 =	sadd.s32 $0x10, s17  }
0x20: {  	[tilespmem:s13], [sflag:$0x1] =	stream.linear.gather [hbm4b:s18+s3], $0x80, $0x38;
	[tilespmem:$0x17980] =	vst v63  }
0x21: {  	p0 =	sne.s32 s17, $0x4E0;
	_ =	swait.ge [sflag:s10], $0x80  }
.Ltmp0:
0x22: {  	[sflag:s10] =	ssyncset.done $0x0;
	(pc) =	sbr.rel @p0 .LBB2_2-.Ltmp0, $4  }
0x23: {  	[sflag:s10] =	ssyncadd.s32 $0xFFFFFF80  }
0x24: {  	[spmem:s1] =	stream.indirect.scatter.add.f32 [tilespmem:s9], [sflag:$0x1], $0x80, s13, s14, $0xb8;
	[tilespmem:$0x17980] =	vst v63  }
0x25: {  	_ =	swait.ge [sflag:s10], $0x4000  }
0x26: {  	s17 =	smov.u32 s19;
	[sflag:s10] =	ssyncset.done $0x0  }
0x27: {  	s16 =	sadd.s32 s16, s8;
	[sflag:s10] =	ssyncadd.s32 $0xFFFFC000  }
0x28: {  	[tilespmem:s13], [sflag:$0x1] =	stream.linear.gather [hbm4b:s16+s3], $0x80, $0x38;
	[tilespmem:$0x17980] =	vst v63  }
0x29: {  	_ =	swait.ge [sflag:s10], $0x80  }
0x2a: {  	[sflag:s10] =	ssyncset.done $0x0  }
0x2b: {  	[sflag:s10] =	ssyncadd.s32 $0xFFFFFF80  }
0x2c: {  	[spmem:s1] =	stream.indirect.scatter.add.f32 [tilespmem:s9], [sflag:$0x1], $0x80, s13, s14, $0xb8;
	[tilespmem:$0x17980] =	vst v63  }
0x2d: {  	_ =	swait.ge [sflag:s10], $0x4000  }
0x2e: {  	s15 =	sadd.s32 $0x1, s15;
	[sflag:s10] =	ssyncset.done $0x0  }
0x2f: {  	p0 =	sne.s32 s15, s7;
	[sflag:s10] =	ssyncadd.s32 $0xFFFFC000  }
.Ltmp1:
0x30: {  	[bflag:$0x0] =	sbarrier.arrive $0xFFFF;
	(pc) =	sbr.rel @p0 .LBB2_1-.Ltmp1, $4  }
0x31: {  	[hbm:s6], [sflag:s11] =	dma.local [spmem:s12], $0x2720  }
0x32: {  	_ =	swait.ge [sflag:s10], $0x2720  }
0x33: {  	[sflag:s10] =	ssyncset.done $0x0  }
0x34: {  	[sflag:s10] =	ssyncadd.s32 $0xFFFFD8E0  }
0x35: {  	_ =	sfence.sel $0x180000  }
0x36: {  	[bflag:$0x0] =	sbarrier.arrive $0xFFFF  }
0x37: {  	p0 =	sne.s32 s2, $0x0;
	_ =	strace $0x90000047  }
0x38: {  	s0 =	sadd.s32 @!p0 $0x100000, s0;
	[bflag:$0x2] =	sbarrier.arrive $0xFFFF  }
0x39: {  	[sflag:s0] =	ssyncadd.tile.s32 @!p0 $0x1;
	_ =	shalt  }
.Lfunc_end2:
_tile_overlayer_lowered:
.L_overlay_start_2:
0x3a: {  	(tag) =	ssettag $0x2  }
0x3b: {  	s0 =	rddreg [dreg:$0x0];
	s2 =	stileid.u32  }
0x3c: {  	s1 =	rddreg [dreg:$0x1];
	p0 =	sne.s32 s2, $0x0  }
0x3d: {  	s3 =	rddreg [dreg:$0x2];
	[bflag:$0x3] =	sbarrier.arrive $0xFFFF;
	s2 =	simm.s32 @!p0 $0x1C01  }
0x3e: {  	[timem:s3], [sflag:s2] =	dma.local @!p0 [hbm:s0], s1  }
0x3f: {  	s0 =	simm.s32 @!p0 $0x1  }
0x40: {  	_ =	swait.ge @!p0 [sflag:s0], s1  }
0x41: {  	s1 =	ssub.s32 @!p0 $0x0, s1;
	[sflag:s0] =	ssyncset.done @!p0 $0x0  }
0x42: {  	[sflag:s0] =	ssyncadd.s32 @!p0 s1  }
0x43: {  	[bflag:$0x3] =	sbarrier.arrive $0xFFFF  }
0x44: {  	_ =	shalt  }

// kernel: kernel.15.cloned.1.call-start
scs
__scs_entry_jumppad:
0x0: {  	(pc) =	sbr.rel $0x88, $3  }
0x1: {  	(tag) =	ssettag $0x0;
	lr =	simm.s32 $0x1  }
0x2: {  	[smem:$0x3F97] =	sst lr;
	_ =	strace $0xD0000000  }
0x3: {  	_ = 	snop  }
0x4: {  	_ = 	snop  }
0x5: {  	_ = 	snop  }
0x6: {  	_ = 	snop  }
0x7: {  	_ = 	snop  }
__scs_overlays_trampoline_lowered:
0x8: {  	[smem:$0x3FA6] =	sst s0  }
0x9: {  	[smem:$0x3FA7] =	sst s1  }
0xa: {  	[smem:$0x3FA8] =	sst s2  }
0xb: {  	[smem:$0x3FA9] =	sst s3  }
0xc: {  	[smem:$0x3FAA] =	sst s4  }
0xd: {  	[smem:$0x3FAB] =	sst s5  }
0xe: {  	[smem:$0x3FAC] =	sst s6  }
0xf: {  	[smem:$0x3FAD] =	sst s7  }
0x10: {  	[smem:$0x3FAE] =	sst s8  }
0x11: {  	[smem:$0x3FAF] =	sst s9;
	s0 =	simm.s32 @!p0 $0x0  }
0x12: {  	s1 =	sld [smem:$0x3F95];
	s0 =	simm.s32 @p0 $0x1  }
0x13: {  	[smem:$0x3FB0] =	sst s0;
	s0 =	simm.s32 @!p1 $0x0  }
0x14: {  	s2 =	sld [smem:$0x3F94];
	s0 =	simm.s32 @p1 $0x1  }
0x15: {  	[smem:$0x3FB1] =	sst s0;
	s0 =	simm.s32 @!p2 $0x0  }
0x16: {  	s3 =	sld [smem:$0x3FDB];
	s0 =	simm.s32 @p2 $0x1  }
0x17: {  	s4 =	simm.s32 $0x1BF5;
	[smem:$0x3FB3] =	sst s0  }
0x18: {  	s0 =	sld [smem:$0x3F96];
	_ =	swait.ge [sflag:s4], $0x0  }
0x19: {  	s7 =	sld [smem:$0x3F97]  }
0x1a: {  	s8 =	sadd.s32 $0xFFFFE003, lr  }
0x1b: {  	s9 =	sadd.s32 $0xFFFFFEF7, lr;
	s5 =	simm.s32 $0xFFFFFFFF;
	p2 =	slt.u32 s8, $0xFFFFF086  }
0x1c: {  	p1 =	slt.u32 s9, $0xF7A;
	s5 =	simm.s32 @!p2 $0x0  }
0x1d: {  	s5 =	simm.s32 @p1 $0x1;
	p0 =	seq.s32 s7, s2  }
0x1e: {  	s7 =	smul.u32 @!p0 $0xF7A, s2;
	p2 =	seq.s32 @!p0 s5, $0x0  }
0x1f: {  	s9 =	smul.u32 $0xF7A, s1;
	s8 =	simm.s32 @!p0 $0x1BF5;
	p2 =	por !p2, p0  }
0x20: {  	[sflag:s8] =	ssyncset.s32 @!p0 $0xFFFFF086;
	s6 =	sadd.s32 @!p0 s3, s7;
	s7 =	simm.s32 @!p0 $0x108  }
0x21: {  	s3 =	sadd.s32 s3, s9;
	s6 =	sadd.s32 @!p0 $0x88, s6;
	s7 =	simm.s32 @p2 $0x1082  }
0x22: {  	[simem:s7], [sflag:s8] =	dma.local @!p0 [hbm:s6], $0xF7A  }
0x23: {  	s9 =	sor.u32 $0xD0000000, s2;
	s6 =	simm.s32 $0x108;
	_ =	swait.ge @!p0 [sflag:s8], $0x0  }
0x24: {  	s3 =	sadd.s32 $0x88, s3;
	s6 =	simm.s32 @!p1 $0x1082;
	[sflag:s4] =	ssyncset.s32 $0xFFFFF086  }
0x25: {  	[simem:s6], [sflag:s4] =	dma.local [hbm:s3], $0xF7A  }
0x26: {  	[smem:$0x3F97] =	sst s1;
	(tag) =	ssettag s2;
	_ =	strace s9  }
0x27: {  	s1 =	sld [smem:$0x3FA7]  }
0x28: {  	s2 =	sld [smem:$0x3FA8]  }
0x29: {  	s4 =	sld [smem:$0x3FAA]  }
0x2a: {  	p0 =	seq.s32 s5, $0x0;
	s5 =	sld [smem:$0x3FAB]  }
0x2b: {  	s6 =	sld [smem:$0x3FAC]  }
0x2c: {  	s7 =	sld [smem:$0x3FAD]  }
0x2d: {  	s3 =	simm.s32 $0x108;
	s8 =	sld [smem:$0x3FAE]  }
0x2e: {  	s3 =	simm.s32 @!p0 $0x1082;
	s9 =	sld [smem:$0x3FAF]  }
0x2f: {  	lr =	sadd.s32 s0, s3;
	s0 =	sld [smem:$0x3FA6]  }
0x30: {  	s3 =	sld [smem:$0x3FA9]  }
0x31: {  	[smem:$0x3FB2] =	sst s10  }
0x32: {  	s10 =	sld [smem:$0x3FB0];
	_ =	sdelay $0x3  }
0x33: {  	p0 =	seq.s32 s10, $0x1;
	s10 =	sld [smem:$0x3FB2];
	_ =	sdelay $0x3  }
0x34: {  	[smem:$0x3FB2] =	sst s10  }
0x35: {  	s10 =	sld [smem:$0x3FB1];
	_ =	sdelay $0x3  }
0x36: {  	p1 =	seq.s32 s10, $0x1;
	s10 =	sld [smem:$0x3FB2];
	_ =	sdelay $0x3  }
0x37: {  	[smem:$0x3FB2] =	sst s10  }
0x38: {  	s10 =	sld [smem:$0x3FB3]  }
0x39: {  	_ = 	snop;
	(pc) =	sbr.ind lr, $3  }
0x3a: {  	_ = 	snop  }
0x3b: {  	_ = 	snop  }
0x3c: {  	p2 =	seq.s32 s10, $0x1;
	s10 =	sld [smem:$0x3FB2]  }
0x3d: {  	_ =	shalt  }
0x3e: {  	_ =	shalt  }
0x3f: {  	_ =	shalt  }
0x40: {  	_ =	shalt  }
0x41: {  	_ =	shalt  }
0x42: {  	_ =	shalt  }
0x43: {  	_ =	shalt  }
0x44: {  	_ =	shalt  }
0x45: {  	_ =	shalt  }
0x46: {  	_ =	shalt  }
0x47: {  	_ =	shalt  }
0x48: {  	_ =	shalt  }
0x49: {  	_ =	shalt  }
0x4a: {  	_ =	shalt  }
0x4b: {  	_ =	shalt  }
0x4c: {  	_ =	shalt  }
0x4d: {  	_ =	shalt  }
0x4e: {  	_ =	shalt  }
0x4f: {  	_ =	shalt  }
0x50: {  	_ =	shalt  }
0x51: {  	_ =	shalt  }
0x52: {  	_ =	shalt  }
0x53: {  	_ =	shalt  }
0x54: {  	_ =	shalt  }
0x55: {  	_ =	shalt  }
0x56: {  	_ =	shalt  }
0x57: {  	_ =	shalt  }
0x58: {  	_ =	shalt  }
0x59: {  	_ =	shalt  }
0x5a: {  	_ =	shalt  }
0x5b: {  	_ =	shalt  }
0x5c: {  	_ =	shalt  }
0x5d: {  	_ =	shalt  }
0x5e: {  	_ =	shalt  }
0x5f: {  	_ =	shalt  }
0x60: {  	_ =	shalt  }
0x61: {  	_ =	shalt  }
0x62: {  	_ =	shalt  }
0x63: {  	_ =	shalt  }
0x64: {  	_ =	shalt  }
0x65: {  	_ =	shalt  }
0x66: {  	_ =	shalt  }
0x67: {  	_ =	shalt  }
0x68: {  	_ =	shalt  }
0x69: {  	_ =	shalt  }
0x6a: {  	_ =	shalt  }
0x6b: {  	_ =	shalt  }
0x6c: {  	_ =	shalt  }
0x6d: {  	_ =	shalt  }
0x6e: {  	_ =	shalt  }
0x6f: {  	_ =	shalt  }
0x70: {  	_ =	shalt  }
0x71: {  	_ =	shalt  }
0x72: {  	_ =	shalt  }
0x73: {  	_ =	shalt  }
0x74: {  	_ =	shalt  }
0x75: {  	_ =	shalt  }
0x76: {  	_ =	shalt  }
0x77: {  	_ =	shalt  }
0x78: {  	_ =	shalt  }
0x79: {  	_ =	shalt  }
0x7a: {  	_ =	shalt  }
0x7b: {  	_ =	shalt  }
0x7c: {  	_ =	shalt  }
0x7d: {  	_ =	shalt  }
0x7e: {  	_ =	shalt  }
0x7f: {  	_ =	shalt  }
0x80: {  	_ =	shalt  }
0x81: {  	_ =	shalt  }
0x82: {  	_ =	shalt  }
0x83: {  	_ =	shalt  }
0x84: {  	_ =	shalt  }
0x85: {  	_ =	shalt  }
0x86: {  	_ =	shalt  }
0x87: {  	_ =	shalt  }
.Lfunc_end0:
.L_simem_size_0:
called_computation.1_lowered:
.L_overlay_start_0:
0x88: {  	s2 =	sld [smem:$0x3FD9]  }
0x89: {  	s3 =	sld [smem:$0x3FFE];
	_ =	sdelay $0x1  }
0x8a: {  	s1 =	srdreg.scid  }
0x8b: {  	s0 =	sand.u32 $0x1, s1  }
0x8c: {  	s17 =	sshll.u32 s0, $0xA;
	s2 =	sadd.s32 s3, s2  }
0x8d: {  	s2 =	sadd.s32 s2, s17  }
0x8e: {  	[smem:$0x3FBE] =	sst s2  }
0x8f: {  	_ = 	snop  }
0x90: {  	s2 =	sld [smem:$0x3FD0];
	(tm) =	ssettm $0x1  }
0x91: {  	s18 =	sld [smem:$0x3FFB];
	_ =	sdelay $0x3  }
0x92: {  	_ =	strace s18  }
0x93: {  	s3 =	sld [smem:$0x3FFC];
	_ =	sdelay $0x3  }
0x94: {  	_ =	strace s3  }
0x95: {  	s3 =	sld [smem:$0x3FFD];
	_ =	sdelay $0x3  }
0x96: {  	_ =	strace s3  }
0x97: {  	_ =	strace $0x8FFFFFFF  }
0x98: {  	s19 =	sld [smem:$0x3FDB];
	_ =	sdelay $0x1  }
0x99: {  	s4 =	simm.s32 $_scs_section_size  }
0x9a: {  	s5 =	simm.s32 $_size__tile_overlayer_lowered;
	s6 =	simm.s32 $_tile_overlayer_lowered  }
0x9b: {  	s22 =	simm.s32 $0x1BFF;
	s21 =	sshll.u32 s6, $0x1;
	s3 =	sadd.s32 s4, s19  }
0x9c: {  	s7 =	simm.s32 $0x0;
	s20 =	sshll.u32 s5, $0x1;
	s5 =	sadd.s32 s21, s3  }
0x9d: {  	[timem:s7], [sflag:s22] =	dma.local [hbm:s5], s20  }
0x9e: {  	_ =	swait.ge [sflag:s22], s20  }
0x9f: {  	s4 =	ssub.s32 $0x0, s20;
	[sflag:s22] =	ssyncset.done $0x0  }
0xa0: {  	[sflag:s22] =	ssyncadd.s32 s4;
	_ =	sdelay $0x1  }
0xa1: {  	s23 =	simm.s32 $0x1B8B  }
0xa2: {  	_ =	swait.ge [sflag:s23], $0x1  }
0xa3: {  	[sflag:s23] =	ssyncset.done $0x0  }
0xa4: {  	s25 =	simm.s32 $0x1B8E;
	s24 =	sld [smem:$0x3FFE];
	[sflag:s23] =	ssyncadd.s32 $0xFFFFFFFF  }
0xa5: {  	s26 =	simm.s32 $execute0_lowered;
	[smem:$0x3FD2] =	sst s25  }
0xa6: {  	s5 =	sshll.u32 s26, $0x1;
	_ =	strace $0x80000049;
	[dreg:$0x1] =	wrdreg $0xFFFFFFFF  }
0xa7: {  	s28 =	simm.s32 $_size_execute0_lowered;
	s3 =	sadd.s32 s3, s5;
	[dreg:$0x0] =	wrdreg $0x0  }
0xa8: {  	s5 =	sshll.u32 s28, $0x1;
	[dreg:$0x2] =	wrdreg s3  }
0xa9: {  	[dreg:$0x3] =	wrdreg s5  }
0xaa: {  	[dreg:$0x4] =	wrdreg $0xC0  }
0xab: {  	_ =	task [dreg:s7], $0x5FFFF  }
0xac: {  	[dreg:$0x1] =	wrdreg $0xFFFFFFFF  }
0xad: {  	[dreg:$0x0] =	wrdreg $0x60  }
0xae: {  	[dreg:$0x2] =	wrdreg s24  }
0xaf: {  	[dreg:$0x3] =	wrdreg s2  }
0xb0: {  	[dreg:$0x4] =	wrdreg $0x0  }
0xb1: {  	[dreg:$0x5] =	wrdreg $0x9  }
0xb2: {  	_ =	task.clear_ibuf [dreg:s7], $0x6FFFF;
	_ =	strace $0x90000049  }
0xb3: {  	s29 =	simm.s32 $0x9;
	_ =	strace $0x8000004B  }
0xb4: {  	_ =	swait.ge [sflag:s29], $0x1  }
0xb5: {  	[sflag:s29] =	ssyncadd.s32 $0xFFFFFFFF  }
0xb6: {  	_ =	strace $0x9000004B  }
0xb7: {  	_ =	sfence  }
0xb8: {  	s30 =	sld [smem:$0x0];
	_ =	sdelay $0x2  }
0xb9: {  	s31 =	sshll.u32 s1, $0xD;
	s1 =	sshrl.u32 s1, $0x2  }
0xba: {  	s3 =	sand.u32 $0x4000, s31;
	s1 =	sadd.s32 s1, s30  }
0xbb: {  	s0 =	sor.u32 s3, s0;
	s1 =	sshll.u32 s1, $0x11  }
0xbc: {  	s0 =	sor.u32 s1, s0  }
0xbd: {  	s0 =	sadd.s32 $0x8F2B, s0  }
0xbe: {  	[sflag:s0] =	ssyncadd.remote.s32 $0x1  }
0xbf: {  	_ =	sfence.sel $0xFFFF  }
0xc0: {  	[dreg:$0x0] =	wrdreg $0xFFFFFFFF;
	(pc) =	sbr.abs _section_cstart, $3  }
0xc1: {  	[dreg:$0x1] =	wrdreg $0xFFFFFFFF  }
0xc2: {  	_ =	task.clear_ibuf [dreg:s7], $0x2FFFF;
	_ =	strace $0x9FFFFFFF  }
0xc3: {  	(tm) =	ssettm $0x7FFFFFFF  }
tec
execute0_lowered:
.L_overlay_start_1:
0x0: {  	(tag) =	ssettag $0x1  }
0x1: {  	s6 =	rddreg [dreg:$0x0]  }
0x2: {  	s8 =	rddreg [dreg:$0x1];
	s0 =	srdreg.scid  }
0x3: {  	s1 =	rddreg [dreg:$0x2];
	s3 =	simm.s32 $0x0;
	s2 =	stileid.u32  }
0x4: {  	s14 =	simm.s32 $0x13980;
	s15 =	simm.s32 $0x80;
	s10 =	smul.u32 $0x13C00, s2  }
0x5: {  	s16 =	simm.s32 $0x13A00;
	s17 =	simm.s32 $0x1;
	s12 =	smul.u32 $0x4E400, s2  }
0x6: {  	s5 =	sand.u32 $0x1, s0;
	s0 =	rddreg [dreg:$0x3];
	s30 =	smul.u32 $0x4F0, s2  }
0x7: {  	s18 =	simm.s32 $0x0;
	[smem:$0x7FF] =	sst s3;
	s9 =	smul.u32 $0x4F00, s5  }
0x8: {  	s4 =	sadd.s32 $0xF600, s6;
	s29 =	sshll.u32 s2, $0x6;
	s7 =	smul.u32 $0x13C000, s5  }
0x9: {  	_ =	strace $0x8000004A;
	s26 =	ssub.s32 $0x2, s5;
	s5 =	sadd.s32 $0xCE00, s6  }
0xa: {  	s13 =	sshrl.u32 s26, $0x1;
	s28 =	sshrl.u32 s12, $0x2;
	s11 =	sadd.s32 s9, s6  }
0xb: {  	s7 =	sadd.s32 s10, s7;
	s10 =	ssub.s32 s26, s13;
	s12 =	sadd.s32 s28, s1  }
0xc: {  	s9 =	sadd.s32 s9, s8;
	s13 =	simm.s32 $0x13900;
	s7 =	sshrl.u32 s7, $0x3  }
0xd: {  	s8 =	smax.u32 s10, $0x1;
	s9 =	sadd.s32 s30, s9;
	s31 =	sadd.s32 s30, s11  }
0xe: {  	s11 =	sshrl.u32 s12, $0x3;
	s12 =	simm.s32 $0x2;
	s7 =	sadd.s32 s7, s6  }
0xf: {  	s6 =	sor.u32 $0x1C02, s29;
	s10 =	sadd.s32 $0x3000, s31;
	s7 =	sadd.s32 $0x36800, s7  }
.LBB2_1:
0x10: {  	[spmem:s11], [sflag:s6] =	dma.local [hbm:s5], $0x2720  }
0x11: {  	_ =	swait.ge [sflag:s12], $0x2720  }
0x12: {  	[sflag:s12] =	ssyncset.done $0x0  }
0x13: {  	[sflag:s12] =	ssyncadd.s32 $0xFFFFD8E0  }
0x14: {  	s19 =	sadd.s32 $0x0, s9;
	[bflag:$0x0] =	sbarrier.arrive $0xFFFF  }
0x15: {  	[tilespmem:s13], [sflag:$0x2] =	stream.linear.gather [hbm4b:s19+s3], $0x80, $0x38;
	[tilespmem:$0x17A00] =	vst v63  }
0x16: {  	_ =	swait.ge [sflag:s12], $0x80  }
0x17: {  	[sflag:s12] =	ssyncset.done $0x0  }
0x18: {  	s31 =	sadd.s32 $0x0, s10;
	[sflag:s12] =	ssyncadd.s32 $0xFFFFFF80  }
0x19: {  	[tilespmem:s14], [sflag:$0x2] =	stream.linear.gather [hbm4b:s31+s3], $0x80, $0x38;
	[tilespmem:$0x17A00] =	vst v63  }
0x1a: {  	_ =	swait.ge [sflag:s12], $0x80  }
0x1b: {  	[sflag:s12] =	ssyncset.done $0x0  }
0x1c: {  	[sflag:s12] =	ssyncadd.s32 $0xFFFFFF80  }
0x1d: {  	[tilespmem:s16], [sflag:$0x1] =	stream.indirect.gather [hbm4b:s4+s15], $0x80, s13, s15, $0xb8;
	[tilespmem:$0x17A00] =	vst v63  }
0x1e: {  	_ =	swait.ge [sflag:s17], $0x4000  }
0x1f: {  	[sflag:s17] =	ssyncset.done $0x0  }
0x20: {  	[sflag:s17] =	ssyncadd.s32 $0xFFFFC000  }
0x21: {  	[spmem:s1] =	stream.indirect.scatter.add.f32 [tilespmem:s16], [sflag:$0x2], $0x80, s14, s15, $0xb8;
	[tilespmem:$0x17A00] =	vst v63  }
0x22: {  	_ =	swait.ge [sflag:s12], $0x4000  }
0x23: {  	s20 =	simm.s32 $0x20;
	s19 =	simm.s32 $0x10;
	[sflag:s12] =	ssyncset.done $0x0  }
.LBB2_2:
0x24: {  	s21 =	sadd.s32 s19, s9  }
0x25: {  	[sflag:s12] =	ssyncadd.s32 $0xFFFFC000;
	s22 =	smov.u32 s20;
	s23 =	sadd.s32 $0x10, s20  }
0x26: {  	[tilespmem:s13], [sflag:$0x2] =	stream.linear.gather [hbm4b:s21+s3], $0x80, $0x38;
	[tilespmem:$0x17A00] =	vst v63  }
0x27: {  	p0 =	sne.s32 s20, $0x4E0;
	_ =	swait.ge [sflag:s12], $0x80  }
0x28: {  	[sflag:s12] =	ssyncset.done $0x0  }
0x29: {  	s20 =	sadd.s32 s19, s10;
	s19 =	smov.u32 s22;
	[sflag:s12] =	ssyncadd.s32 $0xFFFFFF80  }
0x2a: {  	[tilespmem:s14], [sflag:$0x2] =	stream.linear.gather [hbm4b:s20+s3], $0x80, $0x38;
	[tilespmem:$0x17A00] =	vst v63  }
0x2b: {  	_ =	swait.ge [sflag:s12], $0x80  }
0x2c: {  	[sflag:s12] =	ssyncset.done $0x0  }
0x2d: {  	[sflag:s12] =	ssyncadd.s32 $0xFFFFFF80  }
0x2e: {  	[tilespmem:s16], [sflag:$0x1] =	stream.indirect.gather [hbm4b:s4+s15], $0x80, s13, s15, $0xb8;
	[tilespmem:$0x17A00] =	vst v63  }
0x2f: {  	_ =	swait.ge [sflag:s17], $0x4000  }
.Ltmp0:
0x30: {  	[sflag:s17] =	ssyncset.done $0x0;
	(pc) =	sbr.rel @p0 .LBB2_2-.Ltmp0, $4  }
0x31: {  	[sflag:s17] =	ssyncadd.s32 $0xFFFFC000  }
0x32: {  	[spmem:s1] =	stream.indirect.scatter.add.f32 [tilespmem:s16], [sflag:$0x2], $0x80, s14, s15, $0xb8;
	[tilespmem:$0x17A00] =	vst v63  }
0x33: {  	_ =	swait.ge [sflag:s12], $0x4000  }
0x34: {  	s20 =	smov.u32 s23;
	[sflag:s12] =	ssyncset.done $0x0  }
0x35: {  	s20 =	sadd.s32 s19, s9;
	[sflag:s12] =	ssyncadd.s32 $0xFFFFC000  }
0x36: {  	[tilespmem:s13], [sflag:$0x2] =	stream.linear.gather [hbm4b:s20+s3], $0x80, $0x38;
	[tilespmem:$0x17A00] =	vst v63  }
0x37: {  	_ =	swait.ge [sflag:s12], $0x80  }
0x38: {  	[sflag:s12] =	ssyncset.done $0x0  }
0x39: {  	s31 =	sadd.s32 s19, s10;
	[sflag:s12] =	ssyncadd.s32 $0xFFFFFF80  }
0x3a: {  	[tilespmem:s14], [sflag:$0x2] =	stream.linear.gather [hbm4b:s31+s3], $0x80, $0x38;
	[tilespmem:$0x17A00] =	vst v63  }
0x3b: {  	_ =	swait.ge [sflag:s12], $0x80  }
0x3c: {  	[sflag:s12] =	ssyncset.done $0x0  }
0x3d: {  	[sflag:s12] =	ssyncadd.s32 $0xFFFFFF80  }
0x3e: {  	[tilespmem:s16], [sflag:$0x1] =	stream.indirect.gather [hbm4b:s4+s15], $0x80, s13, s15, $0xb8;
	[tilespmem:$0x17A00] =	vst v63  }
0x3f: {  	_ =	swait.ge [sflag:s17], $0x4000  }
0x40: {  	[sflag:s17] =	ssyncset.done $0x0  }
0x41: {  	[sflag:s17] =	ssyncadd.s32 $0xFFFFC000  }
0x42: {  	[spmem:s1] =	stream.indirect.scatter.add.f32 [tilespmem:s16], [sflag:$0x2], $0x80, s14, s15, $0xb8;
	[tilespmem:$0x17A00] =	vst v63  }
0x43: {  	_ =	swait.ge [sflag:s12], $0x4000  }
0x44: {  	s18 =	sadd.s32 $0x1, s18;
	[sflag:s12] =	ssyncset.done $0x0  }
0x45: {  	p0 =	sne.s32 s18, s8;
	[sflag:s12] =	ssyncadd.s32 $0xFFFFC000  }
.Ltmp1:
0x46: {  	[bflag:$0x0] =	sbarrier.arrive $0xFFFF;
	(pc) =	sbr.rel @p0 .LBB2_1-.Ltmp1, $4  }
0x47: {  	[hbm:s7], [sflag:s6] =	dma.local [spmem:s11], $0x2720  }
0x48: {  	_ =	swait.ge [sflag:s12], $0x2720  }
0x49: {  	[sflag:s12] =	ssyncset.done $0x0  }
0x4a: {  	[sflag:s12] =	ssyncadd.s32 $0xFFFFD8E0  }
0x4b: {  	_ =	sfence.sel $0x180000  }
0x4c: {  	[bflag:$0x0] =	sbarrier.arrive $0xFFFF  }
0x4d: {  	p0 =	sne.s32 s2, $0x0;
	_ =	strace $0x9000004A  }
0x4e: {  	s0 =	sadd.s32 @!p0 $0x100000, s0;
	[bflag:$0x2] =	sbarrier.arrive $0xFFFF  }
0x4f: {  	[sflag:s0] =	ssyncadd.tile.s32 @!p0 $0x1;
	_ =	shalt  }
.Lfunc_end2:
_tile_overlayer_lowered:
.L_overlay_start_2:
0x50: {  	(tag) =	ssettag $0x2  }
0x51: {  	s0 =	rddreg [dreg:$0x0];
	s2 =	stileid.u32  }
0x52: {  	s1 =	rddreg [dreg:$0x1];
	p0 =	sne.s32 s2, $0x0  }
0x53: {  	s3 =	rddreg [dreg:$0x2];
	[bflag:$0x3] =	sbarrier.arrive $0xFFFF;
	s2 =	simm.s32 @!p0 $0x1C02  }
0x54: {  	[timem:s3], [sflag:s2] =	dma.local @!p0 [hbm:s0], s1  }
0x55: {  	s0 =	simm.s32 @!p0 $0x2  }
0x56: {  	_ =	swait.ge @!p0 [sflag:s0], s1  }
0x57: {  	s1 =	ssub.s32 @!p0 $0x0, s1;
	[sflag:s0] =	ssyncset.done @!p0 $0x0  }
0x58: {  	[sflag:s0] =	ssyncadd.s32 @!p0 s1  }
0x59: {  	[bflag:$0x3] =	sbarrier.arrive $0xFFFF  }
0x5a: {  	_ =	shalt  }

// kernel: kernel.18.cloned.1.call-start
scs
__scs_entry_jumppad:
0x0: {  	(pc) =	sbr.rel $0x88, $3  }
0x1: {  	(tag) =	ssettag $0x0;
	lr =	simm.s32 $0x1  }
0x2: {  	[smem:$0x3F97] =	sst lr;
	_ =	strace $0xD0000000  }
0x3: {  	_ = 	snop  }
0x4: {  	_ = 	snop  }
0x5: {  	_ = 	snop  }
0x6: {  	_ = 	snop  }
0x7: {  	_ = 	snop  }
__scs_overlays_trampoline_lowered:
0x8: {  	[smem:$0x3FA6] =	sst s0  }
0x9: {  	[smem:$0x3FA7] =	sst s1  }
0xa: {  	[smem:$0x3FA8] =	sst s2  }
0xb: {  	[smem:$0x3FA9] =	sst s3  }
0xc: {  	[smem:$0x3FAA] =	sst s4  }
0xd: {  	[smem:$0x3FAB] =	sst s5  }
0xe: {  	[smem:$0x3FAC] =	sst s6  }
0xf: {  	[smem:$0x3FAD] =	sst s7  }
0x10: {  	[smem:$0x3FAE] =	sst s8  }
0x11: {  	[smem:$0x3FAF] =	sst s9;
	s0 =	simm.s32 @!p0 $0x0  }
0x12: {  	s1 =	sld [smem:$0x3F95];
	s0 =	simm.s32 @p0 $0x1  }
0x13: {  	[smem:$0x3FB0] =	sst s0;
	s0 =	simm.s32 @!p1 $0x0  }
0x14: {  	s2 =	sld [smem:$0x3F94];
	s0 =	simm.s32 @p1 $0x1  }
0x15: {  	[smem:$0x3FB1] =	sst s0;
	s0 =	simm.s32 @!p2 $0x0  }
0x16: {  	s3 =	sld [smem:$0x3FDB];
	s0 =	simm.s32 @p2 $0x1  }
0x17: {  	s4 =	simm.s32 $0x1BF5;
	[smem:$0x3FB3] =	sst s0  }
0x18: {  	s0 =	sld [smem:$0x3F96];
	_ =	swait.ge [sflag:s4], $0x0  }
0x19: {  	s7 =	sld [smem:$0x3F97]  }
0x1a: {  	s8 =	sadd.s32 $0xFFFFE003, lr  }
0x1b: {  	s9 =	sadd.s32 $0xFFFFFEF7, lr;
	s5 =	simm.s32 $0xFFFFFFFF;
	p2 =	slt.u32 s8, $0xFFFFF086  }
0x1c: {  	p1 =	slt.u32 s9, $0xF7A;
	s5 =	simm.s32 @!p2 $0x0  }
0x1d: {  	s5 =	simm.s32 @p1 $0x1;
	p0 =	seq.s32 s7, s2  }
0x1e: {  	s7 =	smul.u32 @!p0 $0xF7A, s2;
	p2 =	seq.s32 @!p0 s5, $0x0  }
0x1f: {  	s9 =	smul.u32 $0xF7A, s1;
	s8 =	simm.s32 @!p0 $0x1BF5;
	p2 =	por !p2, p0  }
0x20: {  	[sflag:s8] =	ssyncset.s32 @!p0 $0xFFFFF086;
	s6 =	sadd.s32 @!p0 s3, s7;
	s7 =	simm.s32 @!p0 $0x108  }
0x21: {  	s3 =	sadd.s32 s3, s9;
	s6 =	sadd.s32 @!p0 $0x88, s6;
	s7 =	simm.s32 @p2 $0x1082  }
0x22: {  	[simem:s7], [sflag:s8] =	dma.local @!p0 [hbm:s6], $0xF7A  }
0x23: {  	s9 =	sor.u32 $0xD0000000, s2;
	s6 =	simm.s32 $0x108;
	_ =	swait.ge @!p0 [sflag:s8], $0x0  }
0x24: {  	s3 =	sadd.s32 $0x88, s3;
	s6 =	simm.s32 @!p1 $0x1082;
	[sflag:s4] =	ssyncset.s32 $0xFFFFF086  }
0x25: {  	[simem:s6], [sflag:s4] =	dma.local [hbm:s3], $0xF7A  }
0x26: {  	[smem:$0x3F97] =	sst s1;
	(tag) =	ssettag s2;
	_ =	strace s9  }
0x27: {  	s1 =	sld [smem:$0x3FA7]  }
0x28: {  	s2 =	sld [smem:$0x3FA8]  }
0x29: {  	s4 =	sld [smem:$0x3FAA]  }
0x2a: {  	p0 =	seq.s32 s5, $0x0;
	s5 =	sld [smem:$0x3FAB]  }
0x2b: {  	s6 =	sld [smem:$0x3FAC]  }
0x2c: {  	s7 =	sld [smem:$0x3FAD]  }
0x2d: {  	s3 =	simm.s32 $0x108;
	s8 =	sld [smem:$0x3FAE]  }
0x2e: {  	s3 =	simm.s32 @!p0 $0x1082;
	s9 =	sld [smem:$0x3FAF]  }
0x2f: {  	lr =	sadd.s32 s0, s3;
	s0 =	sld [smem:$0x3FA6]  }
0x30: {  	s3 =	sld [smem:$0x3FA9]  }
0x31: {  	[smem:$0x3FB2] =	sst s10  }
0x32: {  	s10 =	sld [smem:$0x3FB0];
	_ =	sdelay $0x3  }
0x33: {  	p0 =	seq.s32 s10, $0x1;
	s10 =	sld [smem:$0x3FB2];
	_ =	sdelay $0x3  }
0x34: {  	[smem:$0x3FB2] =	sst s10  }
0x35: {  	s10 =	sld [smem:$0x3FB1];
	_ =	sdelay $0x3  }
0x36: {  	p1 =	seq.s32 s10, $0x1;
	s10 =	sld [smem:$0x3FB2];
	_ =	sdelay $0x3  }
0x37: {  	[smem:$0x3FB2] =	sst s10  }
0x38: {  	s10 =	sld [smem:$0x3FB3]  }
0x39: {  	_ = 	snop;
	(pc) =	sbr.ind lr, $3  }
0x3a: {  	_ = 	snop  }
0x3b: {  	_ = 	snop  }
0x3c: {  	p2 =	seq.s32 s10, $0x1;
	s10 =	sld [smem:$0x3FB2]  }
0x3d: {  	_ =	shalt  }
0x3e: {  	_ =	shalt  }
0x3f: {  	_ =	shalt  }
0x40: {  	_ =	shalt  }
0x41: {  	_ =	shalt  }
0x42: {  	_ =	shalt  }
0x43: {  	_ =	shalt  }
0x44: {  	_ =	shalt  }
0x45: {  	_ =	shalt  }
0x46: {  	_ =	shalt  }
0x47: {  	_ =	shalt  }
0x48: {  	_ =	shalt  }
0x49: {  	_ =	shalt  }
0x4a: {  	_ =	shalt  }
0x4b: {  	_ =	shalt  }
0x4c: {  	_ =	shalt  }
0x4d: {  	_ =	shalt  }
0x4e: {  	_ =	shalt  }
0x4f: {  	_ =	shalt  }
0x50: {  	_ =	shalt  }
0x51: {  	_ =	shalt  }
0x52: {  	_ =	shalt  }
0x53: {  	_ =	shalt  }
0x54: {  	_ =	shalt  }
0x55: {  	_ =	shalt  }
0x56: {  	_ =	shalt  }
0x57: {  	_ =	shalt  }
0x58: {  	_ =	shalt  }
0x59: {  	_ =	shalt  }
0x5a: {  	_ =	shalt  }
0x5b: {  	_ =	shalt  }
0x5c: {  	_ =	shalt  }
0x5d: {  	_ =	shalt  }
0x5e: {  	_ =	shalt  }
0x5f: {  	_ =	shalt  }
0x60: {  	_ =	shalt  }
0x61: {  	_ =	shalt  }
0x62: {  	_ =	shalt  }
0x63: {  	_ =	shalt  }
0x64: {  	_ =	shalt  }
0x65: {  	_ =	shalt  }
0x66: {  	_ =	shalt  }
0x67: {  	_ =	shalt  }
0x68: {  	_ =	shalt  }
0x69: {  	_ =	shalt  }
0x6a: {  	_ =	shalt  }
0x6b: {  	_ =	shalt  }
0x6c: {  	_ =	shalt  }
0x6d: {  	_ =	shalt  }
0x6e: {  	_ =	shalt  }
0x6f: {  	_ =	shalt  }
0x70: {  	_ =	shalt  }
0x71: {  	_ =	shalt  }
0x72: {  	_ =	shalt  }
0x73: {  	_ =	shalt  }
0x74: {  	_ =	shalt  }
0x75: {  	_ =	shalt  }
0x76: {  	_ =	shalt  }
0x77: {  	_ =	shalt  }
0x78: {  	_ =	shalt  }
0x79: {  	_ =	shalt  }
0x7a: {  	_ =	shalt  }
0x7b: {  	_ =	shalt  }
0x7c: {  	_ =	shalt  }
0x7d: {  	_ =	shalt  }
0x7e: {  	_ =	shalt  }
0x7f: {  	_ =	shalt  }
0x80: {  	_ =	shalt  }
0x81: {  	_ =	shalt  }
0x82: {  	_ =	shalt  }
0x83: {  	_ =	shalt  }
0x84: {  	_ =	shalt  }
0x85: {  	_ =	shalt  }
0x86: {  	_ =	shalt  }
0x87: {  	_ =	shalt  }
.Lfunc_end0:
.L_simem_size_0:
called_computation.2_lowered:
.L_overlay_start_0:
0x88: {  	s2 =	sld [smem:$0x3FD9]  }
0x89: {  	s3 =	sld [smem:$0x3FFE];
	_ =	sdelay $0x1  }
0x8a: {  	s1 =	srdreg.scid  }
0x8b: {  	s0 =	sand.u32 $0x1, s1  }
0x8c: {  	s17 =	sshll.u32 s0, $0xA;
	s2 =	sadd.s32 s3, s2  }
0x8d: {  	s2 =	sadd.s32 s2, s17  }
0x8e: {  	[smem:$0x3FBE] =	sst s2  }
0x8f: {  	_ = 	snop  }
0x90: {  	s2 =	sld [smem:$0x3FD0];
	(tm) =	ssettm $0x1  }
0x91: {  	s18 =	sld [smem:$0x3FFB];
	_ =	sdelay $0x3  }
0x92: {  	_ =	strace s18  }
0x93: {  	s3 =	sld [smem:$0x3FFC];
	_ =	sdelay $0x3  }
0x94: {  	_ =	strace s3  }
0x95: {  	s3 =	sld [smem:$0x3FFD];
	_ =	sdelay $0x3  }
0x96: {  	_ =	strace s3  }
0x97: {  	_ =	strace $0x8FFFFFFF  }
0x98: {  	s19 =	sld [smem:$0x3FDB];
	_ =	sdelay $0x1  }
0x99: {  	s4 =	simm.s32 $_scs_section_size  }
0x9a: {  	s5 =	simm.s32 $_size__tile_overlayer_lowered;
	s6 =	simm.s32 $_tile_overlayer_lowered  }
0x9b: {  	s22 =	simm.s32 $0x1BFF;
	s21 =	sshll.u32 s6, $0x1;
	s3 =	sadd.s32 s4, s19  }
0x9c: {  	s7 =	simm.s32 $0x0;
	s20 =	sshll.u32 s5, $0x1;
	s5 =	sadd.s32 s21, s3  }
0x9d: {  	[timem:s7], [sflag:s22] =	dma.local [hbm:s5], s20  }
0x9e: {  	_ =	swait.ge [sflag:s22], s20  }
0x9f: {  	s4 =	ssub.s32 $0x0, s20;
	[sflag:s22] =	ssyncset.done $0x0  }
0xa0: {  	[sflag:s22] =	ssyncadd.s32 s4;
	_ =	sdelay $0x1  }
0xa1: {  	s23 =	simm.s32 $0x1B8B  }
0xa2: {  	_ =	swait.ge [sflag:s23], $0x1  }
0xa3: {  	[sflag:s23] =	ssyncset.done $0x0  }
0xa4: {  	s25 =	simm.s32 $0x1B8E;
	s24 =	sld [smem:$0x3FFE];
	[sflag:s23] =	ssyncadd.s32 $0xFFFFFFFF  }
0xa5: {  	s26 =	simm.s32 $execute0_lowered;
	[smem:$0x3FD2] =	sst s25  }
0xa6: {  	s5 =	sshll.u32 s26, $0x1;
	_ =	strace $0x8000004C;
	[dreg:$0x1] =	wrdreg $0xFFFFFFFF  }
0xa7: {  	s28 =	simm.s32 $_size_execute0_lowered;
	s3 =	sadd.s32 s3, s5;
	[dreg:$0x0] =	wrdreg $0x0  }
0xa8: {  	s5 =	sshll.u32 s28, $0x1;
	[dreg:$0x2] =	wrdreg s3  }
0xa9: {  	[dreg:$0x3] =	wrdreg s5  }
0xaa: {  	[dreg:$0x4] =	wrdreg $0xC0  }
0xab: {  	_ =	task [dreg:s7], $0x5FFFF  }
0xac: {  	[dreg:$0x1] =	wrdreg $0xFFFFFFFF  }
0xad: {  	[dreg:$0x0] =	wrdreg $0x60  }
0xae: {  	[dreg:$0x2] =	wrdreg s24  }
0xaf: {  	[dreg:$0x3] =	wrdreg s2  }
0xb0: {  	[dreg:$0x4] =	wrdreg $0x0  }
0xb1: {  	[dreg:$0x5] =	wrdreg $0x9  }
0xb2: {  	_ =	task.clear_ibuf [dreg:s7], $0x6FFFF;
	_ =	strace $0x9000004C  }
0xb3: {  	s29 =	simm.s32 $0x9;
	_ =	strace $0x8000004E  }
0xb4: {  	_ =	swait.ge [sflag:s29], $0x1  }
0xb5: {  	[sflag:s29] =	ssyncadd.s32 $0xFFFFFFFF  }
0xb6: {  	_ =	strace $0x9000004E  }
0xb7: {  	_ =	sfence  }
0xb8: {  	s30 =	sld [smem:$0x0];
	_ =	sdelay $0x2  }
0xb9: {  	s31 =	sshll.u32 s1, $0xD;
	s1 =	sshrl.u32 s1, $0x2  }
0xba: {  	s3 =	sand.u32 $0x4000, s31;
	s1 =	sadd.s32 s1, s30  }
0xbb: {  	s0 =	sor.u32 s3, s0;
	s1 =	sshll.u32 s1, $0x11  }
0xbc: {  	s0 =	sor.u32 s1, s0  }
0xbd: {  	s0 =	sadd.s32 $0x8F2B, s0  }
0xbe: {  	[sflag:s0] =	ssyncadd.remote.s32 $0x1  }
0xbf: {  	_ =	sfence.sel $0xFFFF  }
0xc0: {  	[dreg:$0x0] =	wrdreg $0xFFFFFFFF;
	(pc) =	sbr.abs _section_cstart, $3  }
0xc1: {  	[dreg:$0x1] =	wrdreg $0xFFFFFFFF  }
0xc2: {  	_ =	task.clear_ibuf [dreg:s7], $0x2FFFF;
	_ =	strace $0x9FFFFFFF  }
0xc3: {  	(tm) =	ssettm $0x7FFFFFFF  }
tec
execute0_lowered:
.L_overlay_start_1:
0x0: {  	(tag) =	ssettag $0x1  }
0x1: {  	s6 =	rddreg [dreg:$0x0]  }
0x2: {  	s8 =	rddreg [dreg:$0x1];
	s0 =	srdreg.scid  }
0x3: {  	s1 =	rddreg [dreg:$0x2];
	s3 =	simm.s32 $0x0;
	s2 =	stileid.u32  }
0x4: {  	s14 =	simm.s32 $0x13980;
	s15 =	simm.s32 $0x80;
	s10 =	smul.u32 $0x13C00, s2  }
0x5: {  	s16 =	simm.s32 $0x13A00;
	s17 =	simm.s32 $0x1;
	s12 =	smul.u32 $0x4E400, s2  }
0x6: {  	s5 =	sand.u32 $0x1, s0;
	s0 =	rddreg [dreg:$0x3];
	s30 =	smul.u32 $0x4F0, s2  }
0x7: {  	s18 =	simm.s32 $0x0;
	[smem:$0x7FF] =	sst s3;
	s9 =	smul.u32 $0x4F00, s5  }
0x8: {  	s4 =	sadd.s32 $0xF600, s6;
	s29 =	sshll.u32 s2, $0x6;
	s7 =	smul.u32 $0x13C000, s5  }
0x9: {  	_ =	strace $0x8000004D;
	s26 =	ssub.s32 $0x2, s5;
	s5 =	sadd.s32 $0xCE00, s6  }
0xa: {  	s13 =	sshrl.u32 s26, $0x1;
	s28 =	sshrl.u32 s12, $0x2;
	s11 =	sadd.s32 s9, s6  }
0xb: {  	s7 =	sadd.s32 s10, s7;
	s10 =	ssub.s32 s26, s13;
	s12 =	sadd.s32 s28, s1  }
0xc: {  	s9 =	sadd.s32 s9, s8;
	s13 =	simm.s32 $0x13900;
	s7 =	sshrl.u32 s7, $0x3  }
0xd: {  	s8 =	smax.u32 s10, $0x1;
	s9 =	sadd.s32 s30, s9;
	s31 =	sadd.s32 s30, s11  }
0xe: {  	s11 =	sshrl.u32 s12, $0x3;
	s12 =	simm.s32 $0x2;
	s7 =	sadd.s32 s7, s6  }
0xf: {  	s6 =	sor.u32 $0x1C02, s29;
	s10 =	sadd.s32 $0x3000, s31;
	s7 =	sadd.s32 $0x36800, s7  }
.LBB2_1:
0x10: {  	[spmem:s11], [sflag:s6] =	dma.local [hbm:s5], $0x2720  }
0x11: {  	_ =	swait.ge [sflag:s12], $0x2720  }
0x12: {  	[sflag:s12] =	ssyncset.done $0x0  }
0x13: {  	[sflag:s12] =	ssyncadd.s32 $0xFFFFD8E0  }
0x14: {  	s19 =	sadd.s32 $0x0, s9;
	[bflag:$0x0] =	sbarrier.arrive $0xFFFF  }
0x15: {  	[tilespmem:s13], [sflag:$0x2] =	stream.linear.gather [hbm4b:s19+s3], $0x80, $0x38;
	[tilespmem:$0x17A00] =	vst v63  }
0x16: {  	_ =	swait.ge [sflag:s12], $0x80  }
0x17: {  	[sflag:s12] =	ssyncset.done $0x0  }
0x18: {  	s31 =	sadd.s32 $0x0, s10;
	[sflag:s12] =	ssyncadd.s32 $0xFFFFFF80  }
0x19: {  	[tilespmem:s14], [sflag:$0x2] =	stream.linear.gather [hbm4b:s31+s3], $0x80, $0x38;
	[tilespmem:$0x17A00] =	vst v63  }
0x1a: {  	_ =	swait.ge [sflag:s12], $0x80  }
0x1b: {  	[sflag:s12] =	ssyncset.done $0x0  }
0x1c: {  	[sflag:s12] =	ssyncadd.s32 $0xFFFFFF80  }
0x1d: {  	[tilespmem:s16], [sflag:$0x1] =	stream.indirect.gather [hbm4b:s4+s15], $0x80, s13, s15, $0xb8;
	[tilespmem:$0x17A00] =	vst v63  }
0x1e: {  	_ =	swait.ge [sflag:s17], $0x4000  }
0x1f: {  	[sflag:s17] =	ssyncset.done $0x0  }
0x20: {  	[sflag:s17] =	ssyncadd.s32 $0xFFFFC000  }
0x21: {  	[spmem:s1] =	stream.indirect.scatter.add.f32 [tilespmem:s16], [sflag:$0x2], $0x80, s14, s15, $0xb8;
	[tilespmem:$0x17A00] =	vst v63  }
0x22: {  	_ =	swait.ge [sflag:s12], $0x4000  }
0x23: {  	s20 =	simm.s32 $0x20;
	s19 =	simm.s32 $0x10;
	[sflag:s12] =	ssyncset.done $0x0  }
.LBB2_2:
0x24: {  	s21 =	sadd.s32 s19, s9  }
0x25: {  	[sflag:s12] =	ssyncadd.s32 $0xFFFFC000;
	s22 =	smov.u32 s20;
	s23 =	sadd.s32 $0x10, s20  }
0x26: {  	[tilespmem:s13], [sflag:$0x2] =	stream.linear.gather [hbm4b:s21+s3], $0x80, $0x38;
	[tilespmem:$0x17A00] =	vst v63  }
0x27: {  	p0 =	sne.s32 s20, $0x4E0;
	_ =	swait.ge [sflag:s12], $0x80  }
0x28: {  	[sflag:s12] =	ssyncset.done $0x0  }
0x29: {  	s20 =	sadd.s32 s19, s10;
	s19 =	smov.u32 s22;
	[sflag:s12] =	ssyncadd.s32 $0xFFFFFF80  }
0x2a: {  	[tilespmem:s14], [sflag:$0x2] =	stream.linear.gather [hbm4b:s20+s3], $0x80, $0x38;
	[tilespmem:$0x17A00] =	vst v63  }
0x2b: {  	_ =	swait.ge [sflag:s12], $0x80  }
0x2c: {  	[sflag:s12] =	ssyncset.done $0x0  }
0x2d: {  	[sflag:s12] =	ssyncadd.s32 $0xFFFFFF80  }
0x2e: {  	[tilespmem:s16], [sflag:$0x1] =	stream.indirect.gather [hbm4b:s4+s15], $0x80, s13, s15, $0xb8;
	[tilespmem:$0x17A00] =	vst v63  }
0x2f: {  	_ =	swait.ge [sflag:s17], $0x4000  }
.Ltmp0:
0x30: {  	[sflag:s17] =	ssyncset.done $0x0;
	(pc) =	sbr.rel @p0 .LBB2_2-.Ltmp0, $4  }
0x31: {  	[sflag:s17] =	ssyncadd.s32 $0xFFFFC000  }
0x32: {  	[spmem:s1] =	stream.indirect.scatter.add.f32 [tilespmem:s16], [sflag:$0x2], $0x80, s14, s15, $0xb8;
	[tilespmem:$0x17A00] =	vst v63  }
0x33: {  	_ =	swait.ge [sflag:s12], $0x4000  }
0x34: {  	s20 =	smov.u32 s23;
	[sflag:s12] =	ssyncset.done $0x0  }
0x35: {  	s20 =	sadd.s32 s19, s9;
	[sflag:s12] =	ssyncadd.s32 $0xFFFFC000  }
0x36: {  	[tilespmem:s13], [sflag:$0x2] =	stream.linear.gather [hbm4b:s20+s3], $0x80, $0x38;
	[tilespmem:$0x17A00] =	vst v63  }
0x37: {  	_ =	swait.ge [sflag:s12], $0x80  }
0x38: {  	[sflag:s12] =	ssyncset.done $0x0  }
0x39: {  	s31 =	sadd.s32 s19, s10;
	[sflag:s12] =	ssyncadd.s32 $0xFFFFFF80  }
0x3a: {  	[tilespmem:s14], [sflag:$0x2] =	stream.linear.gather [hbm4b:s31+s3], $0x80, $0x38;
	[tilespmem:$0x17A00] =	vst v63  }
0x3b: {  	_ =	swait.ge [sflag:s12], $0x80  }
0x3c: {  	[sflag:s12] =	ssyncset.done $0x0  }
0x3d: {  	[sflag:s12] =	ssyncadd.s32 $0xFFFFFF80  }
0x3e: {  	[tilespmem:s16], [sflag:$0x1] =	stream.indirect.gather [hbm4b:s4+s15], $0x80, s13, s15, $0xb8;
	[tilespmem:$0x17A00] =	vst v63  }
0x3f: {  	_ =	swait.ge [sflag:s17], $0x4000  }
0x40: {  	[sflag:s17] =	ssyncset.done $0x0  }
0x41: {  	[sflag:s17] =	ssyncadd.s32 $0xFFFFC000  }
0x42: {  	[spmem:s1] =	stream.indirect.scatter.add.f32 [tilespmem:s16], [sflag:$0x2], $0x80, s14, s15, $0xb8;
	[tilespmem:$0x17A00] =	vst v63  }
0x43: {  	_ =	swait.ge [sflag:s12], $0x4000  }
0x44: {  	s18 =	sadd.s32 $0x1, s18;
	[sflag:s12] =	ssyncset.done $0x0  }
0x45: {  	p0 =	sne.s32 s18, s8;
	[sflag:s12] =	ssyncadd.s32 $0xFFFFC000  }
.Ltmp1:
0x46: {  	[bflag:$0x0] =	sbarrier.arrive $0xFFFF;
	(pc) =	sbr.rel @p0 .LBB2_1-.Ltmp1, $4  }
0x47: {  	[hbm:s7], [sflag:s6] =	dma.local [spmem:s11], $0x2720  }
0x48: {  	_ =	swait.ge [sflag:s12], $0x2720  }
0x49: {  	[sflag:s12] =	ssyncset.done $0x0  }
0x4a: {  	[sflag:s12] =	ssyncadd.s32 $0xFFFFD8E0  }
0x4b: {  	_ =	sfence.sel $0x180000  }
0x4c: {  	[bflag:$0x0] =	sbarrier.arrive $0xFFFF  }
0x4d: {  	p0 =	sne.s32 s2, $0x0;
	_ =	strace $0x9000004D  }
0x4e: {  	s0 =	sadd.s32 @!p0 $0x100000, s0;
	[bflag:$0x2] =	sbarrier.arrive $0xFFFF  }
0x4f: {  	[sflag:s0] =	ssyncadd.tile.s32 @!p0 $0x1;
	_ =	shalt  }
.Lfunc_end2:
_tile_overlayer_lowered:
.L_overlay_start_2:
0x50: {  	(tag) =	ssettag $0x2  }
0x51: {  	s0 =	rddreg [dreg:$0x0];
	s2 =	stileid.u32  }
0x52: {  	s1 =	rddreg [dreg:$0x1];
	p0 =	sne.s32 s2, $0x0  }
0x53: {  	s3 =	rddreg [dreg:$0x2];
	[bflag:$0x3] =	sbarrier.arrive $0xFFFF;
	s2 =	simm.s32 @!p0 $0x1C02  }
0x54: {  	[timem:s3], [sflag:s2] =	dma.local @!p0 [hbm:s0], s1  }
0x55: {  	s0 =	simm.s32 @!p0 $0x2  }
0x56: {  	_ =	swait.ge @!p0 [sflag:s0], s1  }
0x57: {  	s1 =	ssub.s32 @!p0 $0x0, s1;
	[sflag:s0] =	ssyncset.done @!p0 $0x0  }
0x58: {  	[sflag:s0] =	ssyncadd.s32 @!p0 s1  }
0x59: {  	[bflag:$0x3] =	sbarrier.arrive $0xFFFF  }
0x5a: {  	_ =	shalt  }

// kernel: kernel.21.cloned.1.call-start
scs
__scs_entry_jumppad:
0x0: {  	(pc) =	sbr.rel $0x88, $3  }
0x1: {  	(tag) =	ssettag $0x0;
	lr =	simm.s32 $0x1  }
0x2: {  	[smem:$0x3F97] =	sst lr;
	_ =	strace $0xD0000000  }
0x3: {  	_ = 	snop  }
0x4: {  	_ = 	snop  }
0x5: {  	_ = 	snop  }
0x6: {  	_ = 	snop  }
0x7: {  	_ = 	snop  }
__scs_overlays_trampoline_lowered:
0x8: {  	[smem:$0x3FA6] =	sst s0  }
0x9: {  	[smem:$0x3FA7] =	sst s1  }
0xa: {  	[smem:$0x3FA8] =	sst s2  }
0xb: {  	[smem:$0x3FA9] =	sst s3  }
0xc: {  	[smem:$0x3FAA] =	sst s4  }
0xd: {  	[smem:$0x3FAB] =	sst s5  }
0xe: {  	[smem:$0x3FAC] =	sst s6  }
0xf: {  	[smem:$0x3FAD] =	sst s7  }
0x10: {  	[smem:$0x3FAE] =	sst s8  }
0x11: {  	[smem:$0x3FAF] =	sst s9;
	s0 =	simm.s32 @!p0 $0x0  }
0x12: {  	s1 =	sld [smem:$0x3F95];
	s0 =	simm.s32 @p0 $0x1  }
0x13: {  	[smem:$0x3FB0] =	sst s0;
	s0 =	simm.s32 @!p1 $0x0  }
0x14: {  	s2 =	sld [smem:$0x3F94];
	s0 =	simm.s32 @p1 $0x1  }
0x15: {  	[smem:$0x3FB1] =	sst s0;
	s0 =	simm.s32 @!p2 $0x0  }
0x16: {  	s3 =	sld [smem:$0x3FDB];
	s0 =	simm.s32 @p2 $0x1  }
0x17: {  	s4 =	simm.s32 $0x1BF5;
	[smem:$0x3FB3] =	sst s0  }
0x18: {  	s0 =	sld [smem:$0x3F96];
	_ =	swait.ge [sflag:s4], $0x0  }
0x19: {  	s7 =	sld [smem:$0x3F97]  }
0x1a: {  	s8 =	sadd.s32 $0xFFFFE003, lr  }
0x1b: {  	s9 =	sadd.s32 $0xFFFFFEF7, lr;
	s5 =	simm.s32 $0xFFFFFFFF;
	p2 =	slt.u32 s8, $0xFFFFF086  }
0x1c: {  	p1 =	slt.u32 s9, $0xF7A;
	s5 =	simm.s32 @!p2 $0x0  }
0x1d: {  	s5 =	simm.s32 @p1 $0x1;
	p0 =	seq.s32 s7, s2  }
0x1e: {  	s7 =	smul.u32 @!p0 $0xF7A, s2;
	p2 =	seq.s32 @!p0 s5, $0x0  }
0x1f: {  	s9 =	smul.u32 $0xF7A, s1;
	s8 =	simm.s32 @!p0 $0x1BF5;
	p2 =	por !p2, p0  }
0x20: {  	[sflag:s8] =	ssyncset.s32 @!p0 $0xFFFFF086;
	s6 =	sadd.s32 @!p0 s3, s7;
	s7 =	simm.s32 @!p0 $0x108  }
0x21: {  	s3 =	sadd.s32 s3, s9;
	s6 =	sadd.s32 @!p0 $0x88, s6;
	s7 =	simm.s32 @p2 $0x1082  }
0x22: {  	[simem:s7], [sflag:s8] =	dma.local @!p0 [hbm:s6], $0xF7A  }
0x23: {  	s9 =	sor.u32 $0xD0000000, s2;
	s6 =	simm.s32 $0x108;
	_ =	swait.ge @!p0 [sflag:s8], $0x0  }
0x24: {  	s3 =	sadd.s32 $0x88, s3;
	s6 =	simm.s32 @!p1 $0x1082;
	[sflag:s4] =	ssyncset.s32 $0xFFFFF086  }
0x25: {  	[simem:s6], [sflag:s4] =	dma.local [hbm:s3], $0xF7A  }
0x26: {  	[smem:$0x3F97] =	sst s1;
	(tag) =	ssettag s2;
	_ =	strace s9  }
0x27: {  	s1 =	sld [smem:$0x3FA7]  }
0x28: {  	s2 =	sld [smem:$0x3FA8]  }
0x29: {  	s4 =	sld [smem:$0x3FAA]  }
0x2a: {  	p0 =	seq.s32 s5, $0x0;
	s5 =	sld [smem:$0x3FAB]  }
0x2b: {  	s6 =	sld [smem:$0x3FAC]  }
0x2c: {  	s7 =	sld [smem:$0x3FAD]  }
0x2d: {  	s3 =	simm.s32 $0x108;
	s8 =	sld [smem:$0x3FAE]  }
0x2e: {  	s3 =	simm.s32 @!p0 $0x1082;
	s9 =	sld [smem:$0x3FAF]  }
0x2f: {  	lr =	sadd.s32 s0, s3;
	s0 =	sld [smem:$0x3FA6]  }
0x30: {  	s3 =	sld [smem:$0x3FA9]  }
0x31: {  	[smem:$0x3FB2] =	sst s10  }
0x32: {  	s10 =	sld [smem:$0x3FB0];
	_ =	sdelay $0x3  }
0x33: {  	p0 =	seq.s32 s10, $0x1;
	s10 =	sld [smem:$0x3FB2];
	_ =	sdelay $0x3  }
0x34: {  	[smem:$0x3FB2] =	sst s10  }
0x35: {  	s10 =	sld [smem:$0x3FB1];
	_ =	sdelay $0x3  }
0x36: {  	p1 =	seq.s32 s10, $0x1;
	s10 =	sld [smem:$0x3FB2];
	_ =	sdelay $0x3  }
0x37: {  	[smem:$0x3FB2] =	sst s10  }
0x38: {  	s10 =	sld [smem:$0x3FB3]  }
0x39: {  	_ = 	snop;
	(pc) =	sbr.ind lr, $3  }
0x3a: {  	_ = 	snop  }
0x3b: {  	_ = 	snop  }
0x3c: {  	p2 =	seq.s32 s10, $0x1;
	s10 =	sld [smem:$0x3FB2]  }
0x3d: {  	_ =	shalt  }
0x3e: {  	_ =	shalt  }
0x3f: {  	_ =	shalt  }
0x40: {  	_ =	shalt  }
0x41: {  	_ =	shalt  }
0x42: {  	_ =	shalt  }
0x43: {  	_ =	shalt  }
0x44: {  	_ =	shalt  }
0x45: {  	_ =	shalt  }
0x46: {  	_ =	shalt  }
0x47: {  	_ =	shalt  }
0x48: {  	_ =	shalt  }
0x49: {  	_ =	shalt  }
0x4a: {  	_ =	shalt  }
0x4b: {  	_ =	shalt  }
0x4c: {  	_ =	shalt  }
0x4d: {  	_ =	shalt  }
0x4e: {  	_ =	shalt  }
0x4f: {  	_ =	shalt  }
0x50: {  	_ =	shalt  }
0x51: {  	_ =	shalt  }
0x52: {  	_ =	shalt  }
0x53: {  	_ =	shalt  }
0x54: {  	_ =	shalt  }
0x55: {  	_ =	shalt  }
0x56: {  	_ =	shalt  }
0x57: {  	_ =	shalt  }
0x58: {  	_ =	shalt  }
0x59: {  	_ =	shalt  }
0x5a: {  	_ =	shalt  }
0x5b: {  	_ =	shalt  }
0x5c: {  	_ =	shalt  }
0x5d: {  	_ =	shalt  }
0x5e: {  	_ =	shalt  }
0x5f: {  	_ =	shalt  }
0x60: {  	_ =	shalt  }
0x61: {  	_ =	shalt  }
0x62: {  	_ =	shalt  }
0x63: {  	_ =	shalt  }
0x64: {  	_ =	shalt  }
0x65: {  	_ =	shalt  }
0x66: {  	_ =	shalt  }
0x67: {  	_ =	shalt  }
0x68: {  	_ =	shalt  }
0x69: {  	_ =	shalt  }
0x6a: {  	_ =	shalt  }
0x6b: {  	_ =	shalt  }
0x6c: {  	_ =	shalt  }
0x6d: {  	_ =	shalt  }
0x6e: {  	_ =	shalt  }
0x6f: {  	_ =	shalt  }
0x70: {  	_ =	shalt  }
0x71: {  	_ =	shalt  }
0x72: {  	_ =	shalt  }
0x73: {  	_ =	shalt  }
0x74: {  	_ =	shalt  }
0x75: {  	_ =	shalt  }
0x76: {  	_ =	shalt  }
0x77: {  	_ =	shalt  }
0x78: {  	_ =	shalt  }
0x79: {  	_ =	shalt  }
0x7a: {  	_ =	shalt  }
0x7b: {  	_ =	shalt  }
0x7c: {  	_ =	shalt  }
0x7d: {  	_ =	shalt  }
0x7e: {  	_ =	shalt  }
0x7f: {  	_ =	shalt  }
0x80: {  	_ =	shalt  }
0x81: {  	_ =	shalt  }
0x82: {  	_ =	shalt  }
0x83: {  	_ =	shalt  }
0x84: {  	_ =	shalt  }
0x85: {  	_ =	shalt  }
0x86: {  	_ =	shalt  }
0x87: {  	_ =	shalt  }
.Lfunc_end0:
.L_simem_size_0:
called_computation.3_lowered:
.L_overlay_start_0:
0x88: {  	s2 =	sld [smem:$0x3FD9]  }
0x89: {  	s3 =	sld [smem:$0x3FFE];
	_ =	sdelay $0x1  }
0x8a: {  	s1 =	srdreg.scid  }
0x8b: {  	s0 =	sand.u32 $0x1, s1  }
0x8c: {  	s17 =	sshll.u32 s0, $0xA;
	s2 =	sadd.s32 s3, s2  }
0x8d: {  	s2 =	sadd.s32 s2, s17  }
0x8e: {  	[smem:$0x3FBE] =	sst s2  }
0x8f: {  	_ = 	snop  }
0x90: {  	s2 =	sld [smem:$0x3FD0];
	(tm) =	ssettm $0x1  }
0x91: {  	s18 =	sld [smem:$0x3FFB];
	_ =	sdelay $0x3  }
0x92: {  	_ =	strace s18  }
0x93: {  	s3 =	sld [smem:$0x3FFC];
	_ =	sdelay $0x3  }
0x94: {  	_ =	strace s3  }
0x95: {  	s3 =	sld [smem:$0x3FFD];
	_ =	sdelay $0x3  }
0x96: {  	_ =	strace s3  }
0x97: {  	_ =	strace $0x8FFFFFFF  }
0x98: {  	s19 =	sld [smem:$0x3FDB];
	_ =	sdelay $0x1  }
0x99: {  	s4 =	simm.s32 $_scs_section_size  }
0x9a: {  	s5 =	simm.s32 $_size__tile_overlayer_lowered;
	s6 =	simm.s32 $_tile_overlayer_lowered  }
0x9b: {  	s22 =	simm.s32 $0x1BFF;
	s21 =	sshll.u32 s6, $0x1;
	s3 =	sadd.s32 s4, s19  }
0x9c: {  	s7 =	simm.s32 $0x0;
	s20 =	sshll.u32 s5, $0x1;
	s5 =	sadd.s32 s21, s3  }
0x9d: {  	[timem:s7], [sflag:s22] =	dma.local [hbm:s5], s20  }
0x9e: {  	_ =	swait.ge [sflag:s22], s20  }
0x9f: {  	s4 =	ssub.s32 $0x0, s20;
	[sflag:s22] =	ssyncset.done $0x0  }
0xa0: {  	[sflag:s22] =	ssyncadd.s32 s4;
	_ =	sdelay $0x1  }
0xa1: {  	s23 =	simm.s32 $0x1B8B  }
0xa2: {  	_ =	swait.ge [sflag:s23], $0x1  }
0xa3: {  	[sflag:s23] =	ssyncset.done $0x0  }
0xa4: {  	s25 =	simm.s32 $0x1B8E;
	s24 =	sld [smem:$0x3FFE];
	[sflag:s23] =	ssyncadd.s32 $0xFFFFFFFF  }
0xa5: {  	s26 =	simm.s32 $execute0_lowered;
	[smem:$0x3FD2] =	sst s25  }
0xa6: {  	s5 =	sshll.u32 s26, $0x1;
	_ =	strace $0x8000004F;
	[dreg:$0x1] =	wrdreg $0xFFFFFFFF  }
0xa7: {  	s28 =	simm.s32 $_size_execute0_lowered;
	s3 =	sadd.s32 s3, s5;
	[dreg:$0x0] =	wrdreg $0x0  }
0xa8: {  	s5 =	sshll.u32 s28, $0x1;
	[dreg:$0x2] =	wrdreg s3  }
0xa9: {  	[dreg:$0x3] =	wrdreg s5  }
0xaa: {  	[dreg:$0x4] =	wrdreg $0xC0  }
0xab: {  	_ =	task [dreg:s7], $0x5FFFF  }
0xac: {  	[dreg:$0x1] =	wrdreg $0xFFFFFFFF  }
0xad: {  	[dreg:$0x0] =	wrdreg $0x60  }
0xae: {  	[dreg:$0x2] =	wrdreg s24  }
0xaf: {  	[dreg:$0x3] =	wrdreg s2  }
0xb0: {  	[dreg:$0x4] =	wrdreg $0x0  }
0xb1: {  	[dreg:$0x5] =	wrdreg $0x9  }
0xb2: {  	_ =	task.clear_ibuf [dreg:s7], $0x6FFFF;
	_ =	strace $0x9000004F  }
0xb3: {  	s29 =	simm.s32 $0x9;
	_ =	strace $0x80000051  }
0xb4: {  	_ =	swait.ge [sflag:s29], $0x1  }
0xb5: {  	[sflag:s29] =	ssyncadd.s32 $0xFFFFFFFF  }
0xb6: {  	_ =	strace $0x90000051  }
0xb7: {  	_ =	sfence  }
0xb8: {  	s30 =	sld [smem:$0x0];
	_ =	sdelay $0x2  }
0xb9: {  	s31 =	sshll.u32 s1, $0xD;
	s1 =	sshrl.u32 s1, $0x2  }
0xba: {  	s3 =	sand.u32 $0x4000, s31;
	s1 =	sadd.s32 s1, s30  }
0xbb: {  	s0 =	sor.u32 s3, s0;
	s1 =	sshll.u32 s1, $0x11  }
0xbc: {  	s0 =	sor.u32 s1, s0  }
0xbd: {  	s0 =	sadd.s32 $0x8F2B, s0  }
0xbe: {  	[sflag:s0] =	ssyncadd.remote.s32 $0x1  }
0xbf: {  	_ =	sfence.sel $0xFFFF  }
0xc0: {  	[dreg:$0x0] =	wrdreg $0xFFFFFFFF;
	(pc) =	sbr.abs _section_cstart, $3  }
0xc1: {  	[dreg:$0x1] =	wrdreg $0xFFFFFFFF  }
0xc2: {  	_ =	task.clear_ibuf [dreg:s7], $0x2FFFF;
	_ =	strace $0x9FFFFFFF  }
0xc3: {  	(tm) =	ssettm $0x7FFFFFFF  }
tec
execute0_lowered:
.L_overlay_start_1:
0x0: {  	(tag) =	ssettag $0x1  }
0x1: {  	s6 =	rddreg [dreg:$0x0]  }
0x2: {  	s8 =	rddreg [dreg:$0x1];
	s0 =	srdreg.scid  }
0x3: {  	s1 =	rddreg [dreg:$0x2];
	s3 =	simm.s32 $0x0;
	s2 =	stileid.u32  }
0x4: {  	s14 =	simm.s32 $0x13980;
	s15 =	simm.s32 $0x80;
	s10 =	smul.u32 $0x13C00, s2  }
0x5: {  	s16 =	simm.s32 $0x13A00;
	s17 =	simm.s32 $0x1;
	s12 =	smul.u32 $0x4E400, s2  }
0x6: {  	s5 =	sand.u32 $0x1, s0;
	s0 =	rddreg [dreg:$0x3];
	s30 =	smul.u32 $0x4F0, s2  }
0x7: {  	s18 =	simm.s32 $0x0;
	[smem:$0x7FF] =	sst s3;
	s9 =	smul.u32 $0x4F00, s5  }
0x8: {  	s4 =	sadd.s32 $0xF600, s6;
	s29 =	sshll.u32 s2, $0x6;
	s7 =	smul.u32 $0x13C000, s5  }
0x9: {  	_ =	strace $0x80000050;
	s26 =	ssub.s32 $0x2, s5;
	s5 =	sadd.s32 $0xCE00, s6  }
0xa: {  	s13 =	sshrl.u32 s26, $0x1;
	s28 =	sshrl.u32 s12, $0x2;
	s11 =	sadd.s32 s9, s6  }
0xb: {  	s7 =	sadd.s32 s10, s7;
	s10 =	ssub.s32 s26, s13;
	s12 =	sadd.s32 s28, s1  }
0xc: {  	s9 =	sadd.s32 s9, s8;
	s13 =	simm.s32 $0x13900;
	s7 =	sshrl.u32 s7, $0x3  }
0xd: {  	s8 =	smax.u32 s10, $0x1;
	s9 =	sadd.s32 s30, s9;
	s31 =	sadd.s32 s30, s11  }
0xe: {  	s11 =	sshrl.u32 s12, $0x3;
	s12 =	simm.s32 $0x2;
	s7 =	sadd.s32 s7, s6  }
0xf: {  	s6 =	sor.u32 $0x1C02, s29;
	s10 =	sadd.s32 $0x3000, s31;
	s7 =	sadd.s32 $0x36800, s7  }
.LBB2_1:
0x10: {  	[spmem:s11], [sflag:s6] =	dma.local [hbm:s5], $0x2720  }
0x11: {  	_ =	swait.ge [sflag:s12], $0x2720  }
0x12: {  	[sflag:s12] =	ssyncset.done $0x0  }
0x13: {  	[sflag:s12] =	ssyncadd.s32 $0xFFFFD8E0  }
0x14: {  	s19 =	sadd.s32 $0x0, s9;
	[bflag:$0x0] =	sbarrier.arrive $0xFFFF  }
0x15: {  	[tilespmem:s13], [sflag:$0x2] =	stream.linear.gather [hbm4b:s19+s3], $0x80, $0x38;
	[tilespmem:$0x17A00] =	vst v63  }
0x16: {  	_ =	swait.ge [sflag:s12], $0x80  }
0x17: {  	[sflag:s12] =	ssyncset.done $0x0  }
0x18: {  	s31 =	sadd.s32 $0x0, s10;
	[sflag:s12] =	ssyncadd.s32 $0xFFFFFF80  }
0x19: {  	[tilespmem:s14], [sflag:$0x2] =	stream.linear.gather [hbm4b:s31+s3], $0x80, $0x38;
	[tilespmem:$0x17A00] =	vst v63  }
0x1a: {  	_ =	swait.ge [sflag:s12], $0x80  }
0x1b: {  	[sflag:s12] =	ssyncset.done $0x0  }
0x1c: {  	[sflag:s12] =	ssyncadd.s32 $0xFFFFFF80  }
0x1d: {  	[tilespmem:s16], [sflag:$0x1] =	stream.indirect.gather [hbm4b:s4+s15], $0x80, s13, s15, $0xb8;
	[tilespmem:$0x17A00] =	vst v63  }
0x1e: {  	_ =	swait.ge [sflag:s17], $0x4000  }
0x1f: {  	[sflag:s17] =	ssyncset.done $0x0  }
0x20: {  	[sflag:s17] =	ssyncadd.s32 $0xFFFFC000  }
0x21: {  	[spmem:s1] =	stream.indirect.scatter.add.f32 [tilespmem:s16], [sflag:$0x2], $0x80, s14, s15, $0xb8;
	[tilespmem:$0x17A00] =	vst v63  }
0x22: {  	_ =	swait.ge [sflag:s12], $0x4000  }
0x23: {  	s20 =	simm.s32 $0x20;
	s19 =	simm.s32 $0x10;
	[sflag:s12] =	ssyncset.done $0x0  }
.LBB2_2:
0x24: {  	s21 =	sadd.s32 s19, s9  }
0x25: {  	[sflag:s12] =	ssyncadd.s32 $0xFFFFC000;
	s22 =	smov.u32 s20;
	s23 =	sadd.s32 $0x10, s20  }
0x26: {  	[tilespmem:s13], [sflag:$0x2] =	stream.linear.gather [hbm4b:s21+s3], $0x80, $0x38;
	[tilespmem:$0x17A00] =	vst v63  }
0x27: {  	p0 =	sne.s32 s20, $0x4E0;
	_ =	swait.ge [sflag:s12], $0x80  }
0x28: {  	[sflag:s12] =	ssyncset.done $0x0  }
0x29: {  	s20 =	sadd.s32 s19, s10;
	s19 =	smov.u32 s22;
	[sflag:s12] =	ssyncadd.s32 $0xFFFFFF80  }
0x2a: {  	[tilespmem:s14], [sflag:$0x2] =	stream.linear.gather [hbm4b:s20+s3], $0x80, $0x38;
	[tilespmem:$0x17A00] =	vst v63  }
0x2b: {  	_ =	swait.ge [sflag:s12], $0x80  }
0x2c: {  	[sflag:s12] =	ssyncset.done $0x0  }
0x2d: {  	[sflag:s12] =	ssyncadd.s32 $0xFFFFFF80  }
0x2e: {  	[tilespmem:s16], [sflag:$0x1] =	stream.indirect.gather [hbm4b:s4+s15], $0x80, s13, s15, $0xb8;
	[tilespmem:$0x17A00] =	vst v63  }
0x2f: {  	_ =	swait.ge [sflag:s17], $0x4000  }
.Ltmp0:
0x30: {  	[sflag:s17] =	ssyncset.done $0x0;
	(pc) =	sbr.rel @p0 .LBB2_2-.Ltmp0, $4  }
0x31: {  	[sflag:s17] =	ssyncadd.s32 $0xFFFFC000  }
0x32: {  	[spmem:s1] =	stream.indirect.scatter.add.f32 [tilespmem:s16], [sflag:$0x2], $0x80, s14, s15, $0xb8;
	[tilespmem:$0x17A00] =	vst v63  }
0x33: {  	_ =	swait.ge [sflag:s12], $0x4000  }
0x34: {  	s20 =	smov.u32 s23;
	[sflag:s12] =	ssyncset.done $0x0  }
0x35: {  	s20 =	sadd.s32 s19, s9;
	[sflag:s12] =	ssyncadd.s32 $0xFFFFC000  }
0x36: {  	[tilespmem:s13], [sflag:$0x2] =	stream.linear.gather [hbm4b:s20+s3], $0x80, $0x38;
	[tilespmem:$0x17A00] =	vst v63  }
0x37: {  	_ =	swait.ge [sflag:s12], $0x80  }
0x38: {  	[sflag:s12] =	ssyncset.done $0x0  }
0x39: {  	s31 =	sadd.s32 s19, s10;
	[sflag:s12] =	ssyncadd.s32 $0xFFFFFF80  }
0x3a: {  	[tilespmem:s14], [sflag:$0x2] =	stream.linear.gather [hbm4b:s31+s3], $0x80, $0x38;
	[tilespmem:$0x17A00] =	vst v63  }
0x3b: {  	_ =	swait.ge [sflag:s12], $0x80  }
0x3c: {  	[sflag:s12] =	ssyncset.done $0x0  }
0x3d: {  	[sflag:s12] =	ssyncadd.s32 $0xFFFFFF80  }
0x3e: {  	[tilespmem:s16], [sflag:$0x1] =	stream.indirect.gather [hbm4b:s4+s15], $0x80, s13, s15, $0xb8;
	[tilespmem:$0x17A00] =	vst v63  }
0x3f: {  	_ =	swait.ge [sflag:s17], $0x4000  }
0x40: {  	[sflag:s17] =	ssyncset.done $0x0  }
0x41: {  	[sflag:s17] =	ssyncadd.s32 $0xFFFFC000  }
0x42: {  	[spmem:s1] =	stream.indirect.scatter.add.f32 [tilespmem:s16], [sflag:$0x2], $0x80, s14, s15, $0xb8;
	[tilespmem:$0x17A00] =	vst v63  }
0x43: {  	_ =	swait.ge [sflag:s12], $0x4000  }
0x44: {  	s18 =	sadd.s32 $0x1, s18;
	[sflag:s12] =	ssyncset.done $0x0  }
0x45: {  	p0 =	sne.s32 s18, s8;
	[sflag:s12] =	ssyncadd.s32 $0xFFFFC000  }
.Ltmp1:
0x46: {  	[bflag:$0x0] =	sbarrier.arrive $0xFFFF;
	(pc) =	sbr.rel @p0 .LBB2_1-.Ltmp1, $4  }
0x47: {  	[hbm:s7], [sflag:s6] =	dma.local [spmem:s11], $0x2720  }
0x48: {  	_ =	swait.ge [sflag:s12], $0x2720  }
0x49: {  	[sflag:s12] =	ssyncset.done $0x0  }
0x4a: {  	[sflag:s12] =	ssyncadd.s32 $0xFFFFD8E0  }
0x4b: {  	_ =	sfence.sel $0x180000  }
0x4c: {  	[bflag:$0x0] =	sbarrier.arrive $0xFFFF  }
0x4d: {  	p0 =	sne.s32 s2, $0x0;
	_ =	strace $0x90000050  }
0x4e: {  	s0 =	sadd.s32 @!p0 $0x100000, s0;
	[bflag:$0x2] =	sbarrier.arrive $0xFFFF  }
0x4f: {  	[sflag:s0] =	ssyncadd.tile.s32 @!p0 $0x1;
	_ =	shalt  }
.Lfunc_end2:
_tile_overlayer_lowered:
.L_overlay_start_2:
0x50: {  	(tag) =	ssettag $0x2  }
0x51: {  	s0 =	rddreg [dreg:$0x0];
	s2 =	stileid.u32  }
0x52: {  	s1 =	rddreg [dreg:$0x1];
	p0 =	sne.s32 s2, $0x0  }
0x53: {  	s3 =	rddreg [dreg:$0x2];
	[bflag:$0x3] =	sbarrier.arrive $0xFFFF;
	s2 =	simm.s32 @!p0 $0x1C02  }
0x54: {  	[timem:s3], [sflag:s2] =	dma.local @!p0 [hbm:s0], s1  }
0x55: {  	s0 =	simm.s32 @!p0 $0x2  }
0x56: {  	_ =	swait.ge @!p0 [sflag:s0], s1  }
0x57: {  	s1 =	ssub.s32 @!p0 $0x0, s1;
	[sflag:s0] =	ssyncset.done @!p0 $0x0  }
0x58: {  	[sflag:s0] =	ssyncadd.s32 @!p0 s1  }
0x59: {  	[bflag:$0x3] =	sbarrier.arrive $0xFFFF  }
0x5a: {  	_ =	shalt  }

// kernel: kernel.24.cloned.1.call-start
scs
__scs_entry_jumppad:
0x0: {  	(pc) =	sbr.rel $0x88, $3  }
0x1: {  	(tag) =	ssettag $0x0;
	lr =	simm.s32 $0x1  }
0x2: {  	[smem:$0x3F97] =	sst lr;
	_ =	strace $0xD0000000  }
0x3: {  	_ = 	snop  }
0x4: {  	_ = 	snop  }
0x5: {  	_ = 	snop  }
0x6: {  	_ = 	snop  }
0x7: {  	_ = 	snop  }
__scs_overlays_trampoline_lowered:
0x8: {  	[smem:$0x3FA6] =	sst s0  }
0x9: {  	[smem:$0x3FA7] =	sst s1  }
0xa: {  	[smem:$0x3FA8] =	sst s2  }
0xb: {  	[smem:$0x3FA9] =	sst s3  }
0xc: {  	[smem:$0x3FAA] =	sst s4  }
0xd: {  	[smem:$0x3FAB] =	sst s5  }
0xe: {  	[smem:$0x3FAC] =	sst s6  }
0xf: {  	[smem:$0x3FAD] =	sst s7  }
0x10: {  	[smem:$0x3FAE] =	sst s8  }
0x11: {  	[smem:$0x3FAF] =	sst s9;
	s0 =	simm.s32 @!p0 $0x0  }
0x12: {  	s1 =	sld [smem:$0x3F95];
	s0 =	simm.s32 @p0 $0x1  }
0x13: {  	[smem:$0x3FB0] =	sst s0;
	s0 =	simm.s32 @!p1 $0x0  }
0x14: {  	s2 =	sld [smem:$0x3F94];
	s0 =	simm.s32 @p1 $0x1  }
0x15: {  	[smem:$0x3FB1] =	sst s0;
	s0 =	simm.s32 @!p2 $0x0  }
0x16: {  	s3 =	sld [smem:$0x3FDB];
	s0 =	simm.s32 @p2 $0x1  }
0x17: {  	s4 =	simm.s32 $0x1BF5;
	[smem:$0x3FB3] =	sst s0  }
0x18: {  	s0 =	sld [smem:$0x3F96];
	_ =	swait.ge [sflag:s4], $0x0  }
0x19: {  	s7 =	sld [smem:$0x3F97]  }
0x1a: {  	s8 =	sadd.s32 $0xFFFFE003, lr  }
0x1b: {  	s9 =	sadd.s32 $0xFFFFFEF7, lr;
	s5 =	simm.s32 $0xFFFFFFFF;
	p2 =	slt.u32 s8, $0xFFFFF086  }
0x1c: {  	p1 =	slt.u32 s9, $0xF7A;
	s5 =	simm.s32 @!p2 $0x0  }
0x1d: {  	s5 =	simm.s32 @p1 $0x1;
	p0 =	seq.s32 s7, s2  }
0x1e: {  	s7 =	smul.u32 @!p0 $0xF7A, s2;
	p2 =	seq.s32 @!p0 s5, $0x0  }
0x1f: {  	s9 =	smul.u32 $0xF7A, s1;
	s8 =	simm.s32 @!p0 $0x1BF5;
	p2 =	por !p2, p0  }
0x20: {  	[sflag:s8] =	ssyncset.s32 @!p0 $0xFFFFF086;
	s6 =	sadd.s32 @!p0 s3, s7;
	s7 =	simm.s32 @!p0 $0x108  }
0x21: {  	s3 =	sadd.s32 s3, s9;
	s6 =	sadd.s32 @!p0 $0x88, s6;
	s7 =	simm.s32 @p2 $0x1082  }
0x22: {  	[simem:s7], [sflag:s8] =	dma.local @!p0 [hbm:s6], $0xF7A  }
0x23: {  	s9 =	sor.u32 $0xD0000000, s2;
	s6 =	simm.s32 $0x108;
	_ =	swait.ge @!p0 [sflag:s8], $0x0  }
0x24: {  	s3 =	sadd.s32 $0x88, s3;
	s6 =	simm.s32 @!p1 $0x1082;
	[sflag:s4] =	ssyncset.s32 $0xFFFFF086  }
0x25: {  	[simem:s6], [sflag:s4] =	dma.local [hbm:s3], $0xF7A  }
0x26: {  	[smem:$0x3F97] =	sst s1;
	(tag) =	ssettag s2;
	_ =	strace s9  }
0x27: {  	s1 =	sld [smem:$0x3FA7]  }
0x28: {  	s2 =	sld [smem:$0x3FA8]  }
0x29: {  	s4 =	sld [smem:$0x3FAA]  }
0x2a: {  	p0 =	seq.s32 s5, $0x0;
	s5 =	sld [smem:$0x3FAB]  }
0x2b: {  	s6 =	sld [smem:$0x3FAC]  }
0x2c: {  	s7 =	sld [smem:$0x3FAD]  }
0x2d: {  	s3 =	simm.s32 $0x108;
	s8 =	sld [smem:$0x3FAE]  }
0x2e: {  	s3 =	simm.s32 @!p0 $0x1082;
	s9 =	sld [smem:$0x3FAF]  }
0x2f: {  	lr =	sadd.s32 s0, s3;
	s0 =	sld [smem:$0x3FA6]  }
0x30: {  	s3 =	sld [smem:$0x3FA9]  }
0x31: {  	[smem:$0x3FB2] =	sst s10  }
0x32: {  	s10 =	sld [smem:$0x3FB0];
	_ =	sdelay $0x3  }
0x33: {  	p0 =	seq.s32 s10, $0x1;
	s10 =	sld [smem:$0x3FB2];
	_ =	sdelay $0x3  }
0x34: {  	[smem:$0x3FB2] =	sst s10  }
0x35: {  	s10 =	sld [smem:$0x3FB1];
	_ =	sdelay $0x3  }
0x36: {  	p1 =	seq.s32 s10, $0x1;
	s10 =	sld [smem:$0x3FB2];
	_ =	sdelay $0x3  }
0x37: {  	[smem:$0x3FB2] =	sst s10  }
0x38: {  	s10 =	sld [smem:$0x3FB3]  }
0x39: {  	_ = 	snop;
	(pc) =	sbr.ind lr, $3  }
0x3a: {  	_ = 	snop  }
0x3b: {  	_ = 	snop  }
0x3c: {  	p2 =	seq.s32 s10, $0x1;
	s10 =	sld [smem:$0x3FB2]  }
0x3d: {  	_ =	shalt  }
0x3e: {  	_ =	shalt  }
0x3f: {  	_ =	shalt  }
0x40: {  	_ =	shalt  }
0x41: {  	_ =	shalt  }
0x42: {  	_ =	shalt  }
0x43: {  	_ =	shalt  }
0x44: {  	_ =	shalt  }
0x45: {  	_ =	shalt  }
0x46: {  	_ =	shalt  }
0x47: {  	_ =	shalt  }
0x48: {  	_ =	shalt  }
0x49: {  	_ =	shalt  }
0x4a: {  	_ =	shalt  }
0x4b: {  	_ =	shalt  }
0x4c: {  	_ =	shalt  }
0x4d: {  	_ =	shalt  }
0x4e: {  	_ =	shalt  }
0x4f: {  	_ =	shalt  }
0x50: {  	_ =	shalt  }
0x51: {  	_ =	shalt  }
0x52: {  	_ =	shalt  }
0x53: {  	_ =	shalt  }
0x54: {  	_ =	shalt  }
0x55: {  	_ =	shalt  }
0x56: {  	_ =	shalt  }
0x57: {  	_ =	shalt  }
0x58: {  	_ =	shalt  }
0x59: {  	_ =	shalt  }
0x5a: {  	_ =	shalt  }
0x5b: {  	_ =	shalt  }
0x5c: {  	_ =	shalt  }
0x5d: {  	_ =	shalt  }
0x5e: {  	_ =	shalt  }
0x5f: {  	_ =	shalt  }
0x60: {  	_ =	shalt  }
0x61: {  	_ =	shalt  }
0x62: {  	_ =	shalt  }
0x63: {  	_ =	shalt  }
0x64: {  	_ =	shalt  }
0x65: {  	_ =	shalt  }
0x66: {  	_ =	shalt  }
0x67: {  	_ =	shalt  }
0x68: {  	_ =	shalt  }
0x69: {  	_ =	shalt  }
0x6a: {  	_ =	shalt  }
0x6b: {  	_ =	shalt  }
0x6c: {  	_ =	shalt  }
0x6d: {  	_ =	shalt  }
0x6e: {  	_ =	shalt  }
0x6f: {  	_ =	shalt  }
0x70: {  	_ =	shalt  }
0x71: {  	_ =	shalt  }
0x72: {  	_ =	shalt  }
0x73: {  	_ =	shalt  }
0x74: {  	_ =	shalt  }
0x75: {  	_ =	shalt  }
0x76: {  	_ =	shalt  }
0x77: {  	_ =	shalt  }
0x78: {  	_ =	shalt  }
0x79: {  	_ =	shalt  }
0x7a: {  	_ =	shalt  }
0x7b: {  	_ =	shalt  }
0x7c: {  	_ =	shalt  }
0x7d: {  	_ =	shalt  }
0x7e: {  	_ =	shalt  }
0x7f: {  	_ =	shalt  }
0x80: {  	_ =	shalt  }
0x81: {  	_ =	shalt  }
0x82: {  	_ =	shalt  }
0x83: {  	_ =	shalt  }
0x84: {  	_ =	shalt  }
0x85: {  	_ =	shalt  }
0x86: {  	_ =	shalt  }
0x87: {  	_ =	shalt  }
.Lfunc_end0:
.L_simem_size_0:
called_computation.4_lowered:
.L_overlay_start_0:
0x88: {  	s2 =	sld [smem:$0x3FD9]  }
0x89: {  	s3 =	sld [smem:$0x3FFE];
	_ =	sdelay $0x1  }
0x8a: {  	s1 =	srdreg.scid  }
0x8b: {  	s0 =	sand.u32 $0x1, s1  }
0x8c: {  	s17 =	sshll.u32 s0, $0xA;
	s2 =	sadd.s32 s3, s2  }
0x8d: {  	s2 =	sadd.s32 s2, s17  }
0x8e: {  	[smem:$0x3FBE] =	sst s2  }
0x8f: {  	_ = 	snop  }
0x90: {  	s2 =	sld [smem:$0x3FD0];
	(tm) =	ssettm $0x1  }
0x91: {  	s18 =	sld [smem:$0x3FFB];
	_ =	sdelay $0x3  }
0x92: {  	_ =	strace s18  }
0x93: {  	s3 =	sld [smem:$0x3FFC];
	_ =	sdelay $0x3  }
0x94: {  	_ =	strace s3  }
0x95: {  	s3 =	sld [smem:$0x3FFD];
	_ =	sdelay $0x3  }
0x96: {  	_ =	strace s3  }
0x97: {  	_ =	strace $0x8FFFFFFF  }
0x98: {  	s19 =	sld [smem:$0x3FDB];
	_ =	sdelay $0x1  }
0x99: {  	s4 =	simm.s32 $_scs_section_size  }
0x9a: {  	s5 =	simm.s32 $_size__tile_overlayer_lowered;
	s6 =	simm.s32 $_tile_overlayer_lowered  }
0x9b: {  	s22 =	simm.s32 $0x1BFF;
	s21 =	sshll.u32 s6, $0x1;
	s3 =	sadd.s32 s4, s19  }
0x9c: {  	s7 =	simm.s32 $0x0;
	s20 =	sshll.u32 s5, $0x1;
	s5 =	sadd.s32 s21, s3  }
0x9d: {  	[timem:s7], [sflag:s22] =	dma.local [hbm:s5], s20  }
0x9e: {  	_ =	swait.ge [sflag:s22], s20  }
0x9f: {  	s4 =	ssub.s32 $0x0, s20;
	[sflag:s22] =	ssyncset.done $0x0  }
0xa0: {  	[sflag:s22] =	ssyncadd.s32 s4;
	_ =	sdelay $0x1  }
0xa1: {  	s23 =	simm.s32 $0x1B8B  }
0xa2: {  	_ =	swait.ge [sflag:s23], $0x1  }
0xa3: {  	[sflag:s23] =	ssyncset.done $0x0  }
0xa4: {  	s25 =	simm.s32 $0x1B8E;
	s24 =	sld [smem:$0x3FFE];
	[sflag:s23] =	ssyncadd.s32 $0xFFFFFFFF  }
0xa5: {  	s26 =	simm.s32 $execute0_lowered;
	[smem:$0x3FD2] =	sst s25  }
0xa6: {  	s5 =	sshll.u32 s26, $0x1;
	_ =	strace $0x80000052;
	[dreg:$0x1] =	wrdreg $0xFFFFFFFF  }
0xa7: {  	s28 =	simm.s32 $_size_execute0_lowered;
	s3 =	sadd.s32 s3, s5;
	[dreg:$0x0] =	wrdreg $0x0  }
0xa8: {  	s5 =	sshll.u32 s28, $0x1;
	[dreg:$0x2] =	wrdreg s3  }
0xa9: {  	[dreg:$0x3] =	wrdreg s5  }
0xaa: {  	[dreg:$0x4] =	wrdreg $0xC0  }
0xab: {  	_ =	task [dreg:s7], $0x5FFFF  }
0xac: {  	[dreg:$0x1] =	wrdreg $0xFFFFFFFF  }
0xad: {  	[dreg:$0x0] =	wrdreg $0x60  }
0xae: {  	[dreg:$0x2] =	wrdreg s24  }
0xaf: {  	[dreg:$0x3] =	wrdreg s2  }
0xb0: {  	[dreg:$0x4] =	wrdreg $0x0  }
0xb1: {  	[dreg:$0x5] =	wrdreg $0x9  }
0xb2: {  	_ =	task.clear_ibuf [dreg:s7], $0x6FFFF;
	_ =	strace $0x90000052  }
0xb3: {  	s29 =	simm.s32 $0x9;
	_ =	strace $0x80000054  }
0xb4: {  	_ =	swait.ge [sflag:s29], $0x1  }
0xb5: {  	[sflag:s29] =	ssyncadd.s32 $0xFFFFFFFF  }
0xb6: {  	_ =	strace $0x90000054  }
0xb7: {  	_ =	sfence  }
0xb8: {  	s30 =	sld [smem:$0x0];
	_ =	sdelay $0x2  }
0xb9: {  	s31 =	sshll.u32 s1, $0xD;
	s1 =	sshrl.u32 s1, $0x2  }
0xba: {  	s3 =	sand.u32 $0x4000, s31;
	s1 =	sadd.s32 s1, s30  }
0xbb: {  	s0 =	sor.u32 s3, s0;
	s1 =	sshll.u32 s1, $0x11  }
0xbc: {  	s0 =	sor.u32 s1, s0  }
0xbd: {  	s0 =	sadd.s32 $0x8F2B, s0  }
0xbe: {  	[sflag:s0] =	ssyncadd.remote.s32 $0x1  }
0xbf: {  	_ =	sfence.sel $0xFFFF  }
0xc0: {  	[dreg:$0x0] =	wrdreg $0xFFFFFFFF;
	(pc) =	sbr.abs _section_cstart, $3  }
0xc1: {  	[dreg:$0x1] =	wrdreg $0xFFFFFFFF  }
0xc2: {  	_ =	task.clear_ibuf [dreg:s7], $0x2FFFF;
	_ =	strace $0x9FFFFFFF  }
0xc3: {  	(tm) =	ssettm $0x7FFFFFFF  }
tec
execute0_lowered:
.L_overlay_start_1:
0x0: {  	(tag) =	ssettag $0x1  }
0x1: {  	s6 =	rddreg [dreg:$0x0]  }
0x2: {  	s8 =	rddreg [dreg:$0x1];
	s0 =	srdreg.scid  }
0x3: {  	s1 =	rddreg [dreg:$0x2];
	s3 =	simm.s32 $0x0;
	s2 =	stileid.u32  }
0x4: {  	s14 =	simm.s32 $0x13980;
	s15 =	simm.s32 $0x80;
	s10 =	smul.u32 $0x13C00, s2  }
0x5: {  	s16 =	simm.s32 $0x13A00;
	s17 =	simm.s32 $0x1;
	s12 =	smul.u32 $0x4E400, s2  }
0x6: {  	s5 =	sand.u32 $0x1, s0;
	s0 =	rddreg [dreg:$0x3];
	s30 =	smul.u32 $0x4F0, s2  }
0x7: {  	s18 =	simm.s32 $0x0;
	[smem:$0x7FF] =	sst s3;
	s9 =	smul.u32 $0x4F00, s5  }
0x8: {  	s4 =	sadd.s32 $0xF600, s6;
	s29 =	sshll.u32 s2, $0x6;
	s7 =	smul.u32 $0x13C000, s5  }
0x9: {  	_ =	strace $0x80000053;
	s26 =	ssub.s32 $0x2, s5;
	s5 =	sadd.s32 $0xCE00, s6  }
0xa: {  	s13 =	sshrl.u32 s26, $0x1;
	s28 =	sshrl.u32 s12, $0x2;
	s11 =	sadd.s32 s9, s6  }
0xb: {  	s7 =	sadd.s32 s10, s7;
	s10 =	ssub.s32 s26, s13;
	s12 =	sadd.s32 s28, s1  }
0xc: {  	s9 =	sadd.s32 s9, s8;
	s13 =	simm.s32 $0x13900;
	s7 =	sshrl.u32 s7, $0x3  }
0xd: {  	s8 =	smax.u32 s10, $0x1;
	s9 =	sadd.s32 s30, s9;
	s31 =	sadd.s32 s30, s11  }
0xe: {  	s11 =	sshrl.u32 s12, $0x3;
	s12 =	simm.s32 $0x2;
	s7 =	sadd.s32 s7, s6  }
0xf: {  	s6 =	sor.u32 $0x1C02, s29;
	s10 =	sadd.s32 $0x3000, s31;
	s7 =	sadd.s32 $0x36800, s7  }
.LBB2_1:
0x10: {  	[spmem:s11], [sflag:s6] =	dma.local [hbm:s5], $0x2720  }
0x11: {  	_ =	swait.ge [sflag:s12], $0x2720  }
0x12: {  	[sflag:s12] =	ssyncset.done $0x0  }
0x13: {  	[sflag:s12] =	ssyncadd.s32 $0xFFFFD8E0  }
0x14: {  	s19 =	sadd.s32 $0x0, s9;
	[bflag:$0x0] =	sbarrier.arrive $0xFFFF  }
0x15: {  	[tilespmem:s13], [sflag:$0x2] =	stream.linear.gather [hbm4b:s19+s3], $0x80, $0x38;
	[tilespmem:$0x17A00] =	vst v63  }
0x16: {  	_ =	swait.ge [sflag:s12], $0x80  }
0x17: {  	[sflag:s12] =	ssyncset.done $0x0  }
0x18: {  	s31 =	sadd.s32 $0x0, s10;
	[sflag:s12] =	ssyncadd.s32 $0xFFFFFF80  }
0x19: {  	[tilespmem:s14], [sflag:$0x2] =	stream.linear.gather [hbm4b:s31+s3], $0x80, $0x38;
	[tilespmem:$0x17A00] =	vst v63  }
0x1a: {  	_ =	swait.ge [sflag:s12], $0x80  }
0x1b: {  	[sflag:s12] =	ssyncset.done $0x0  }
0x1c: {  	[sflag:s12] =	ssyncadd.s32 $0xFFFFFF80  }
0x1d: {  	[tilespmem:s16], [sflag:$0x1] =	stream.indirect.gather [hbm4b:s4+s15], $0x80, s13, s15, $0xb8;
	[tilespmem:$0x17A00] =	vst v63  }
0x1e: {  	_ =	swait.ge [sflag:s17], $0x4000  }
0x1f: {  	[sflag:s17] =	ssyncset.done $0x0  }
0x20: {  	[sflag:s17] =	ssyncadd.s32 $0xFFFFC000  }
0x21: {  	[spmem:s1] =	stream.indirect.scatter.add.f32 [tilespmem:s16], [sflag:$0x2], $0x80, s14, s15, $0xb8;
	[tilespmem:$0x17A00] =	vst v63  }
0x22: {  	_ =	swait.ge [sflag:s12], $0x4000  }
0x23: {  	s20 =	simm.s32 $0x20;
	s19 =	simm.s32 $0x10;
	[sflag:s12] =	ssyncset.done $0x0  }
.LBB2_2:
0x24: {  	s21 =	sadd.s32 s19, s9  }
0x25: {  	[sflag:s12] =	ssyncadd.s32 $0xFFFFC000;
	s22 =	smov.u32 s20;
	s23 =	sadd.s32 $0x10, s20  }
0x26: {  	[tilespmem:s13], [sflag:$0x2] =	stream.linear.gather [hbm4b:s21+s3], $0x80, $0x38;
	[tilespmem:$0x17A00] =	vst v63  }
0x27: {  	p0 =	sne.s32 s20, $0x4E0;
	_ =	swait.ge [sflag:s12], $0x80  }
0x28: {  	[sflag:s12] =	ssyncset.done $0x0  }
0x29: {  	s20 =	sadd.s32 s19, s10;
	s19 =	smov.u32 s22;
	[sflag:s12] =	ssyncadd.s32 $0xFFFFFF80  }
0x2a: {  	[tilespmem:s14], [sflag:$0x2] =	stream.linear.gather [hbm4b:s20+s3], $0x80, $0x38;
	[tilespmem:$0x17A00] =	vst v63  }
0x2b: {  	_ =	swait.ge [sflag:s12], $0x80  }
0x2c: {  	[sflag:s12] =	ssyncset.done $0x0  }
0x2d: {  	[sflag:s12] =	ssyncadd.s32 $0xFFFFFF80  }
0x2e: {  	[tilespmem:s16], [sflag:$0x1] =	stream.indirect.gather [hbm4b:s4+s15], $0x80, s13, s15, $0xb8;
	[tilespmem:$0x17A00] =	vst v63  }
0x2f: {  	_ =	swait.ge [sflag:s17], $0x4000  }
.Ltmp0:
0x30: {  	[sflag:s17] =	ssyncset.done $0x0;
	(pc) =	sbr.rel @p0 .LBB2_2-.Ltmp0, $4  }
0x31: {  	[sflag:s17] =	ssyncadd.s32 $0xFFFFC000  }
0x32: {  	[spmem:s1] =	stream.indirect.scatter.add.f32 [tilespmem:s16], [sflag:$0x2], $0x80, s14, s15, $0xb8;
	[tilespmem:$0x17A00] =	vst v63  }
0x33: {  	_ =	swait.ge [sflag:s12], $0x4000  }
0x34: {  	s20 =	smov.u32 s23;
	[sflag:s12] =	ssyncset.done $0x0  }
0x35: {  	s20 =	sadd.s32 s19, s9;
	[sflag:s12] =	ssyncadd.s32 $0xFFFFC000  }
0x36: {  	[tilespmem:s13], [sflag:$0x2] =	stream.linear.gather [hbm4b:s20+s3], $0x80, $0x38;
	[tilespmem:$0x17A00] =	vst v63  }
0x37: {  	_ =	swait.ge [sflag:s12], $0x80  }
0x38: {  	[sflag:s12] =	ssyncset.done $0x0  }
0x39: {  	s31 =	sadd.s32 s19, s10;
	[sflag:s12] =	ssyncadd.s32 $0xFFFFFF80  }
0x3a: {  	[tilespmem:s14], [sflag:$0x2] =	stream.linear.gather [hbm4b:s31+s3], $0x80, $0x38;
	[tilespmem:$0x17A00] =	vst v63  }
0x3b: {  	_ =	swait.ge [sflag:s12], $0x80  }
0x3c: {  	[sflag:s12] =	ssyncset.done $0x0  }
0x3d: {  	[sflag:s12] =	ssyncadd.s32 $0xFFFFFF80  }
0x3e: {  	[tilespmem:s16], [sflag:$0x1] =	stream.indirect.gather [hbm4b:s4+s15], $0x80, s13, s15, $0xb8;
	[tilespmem:$0x17A00] =	vst v63  }
0x3f: {  	_ =	swait.ge [sflag:s17], $0x4000  }
0x40: {  	[sflag:s17] =	ssyncset.done $0x0  }
0x41: {  	[sflag:s17] =	ssyncadd.s32 $0xFFFFC000  }
0x42: {  	[spmem:s1] =	stream.indirect.scatter.add.f32 [tilespmem:s16], [sflag:$0x2], $0x80, s14, s15, $0xb8;
	[tilespmem:$0x17A00] =	vst v63  }
0x43: {  	_ =	swait.ge [sflag:s12], $0x4000  }
0x44: {  	s18 =	sadd.s32 $0x1, s18;
	[sflag:s12] =	ssyncset.done $0x0  }
0x45: {  	p0 =	sne.s32 s18, s8;
	[sflag:s12] =	ssyncadd.s32 $0xFFFFC000  }
.Ltmp1:
0x46: {  	[bflag:$0x0] =	sbarrier.arrive $0xFFFF;
	(pc) =	sbr.rel @p0 .LBB2_1-.Ltmp1, $4  }
0x47: {  	[hbm:s7], [sflag:s6] =	dma.local [spmem:s11], $0x2720  }
0x48: {  	_ =	swait.ge [sflag:s12], $0x2720  }
0x49: {  	[sflag:s12] =	ssyncset.done $0x0  }
0x4a: {  	[sflag:s12] =	ssyncadd.s32 $0xFFFFD8E0  }
0x4b: {  	_ =	sfence.sel $0x180000  }
0x4c: {  	[bflag:$0x0] =	sbarrier.arrive $0xFFFF  }
0x4d: {  	p0 =	sne.s32 s2, $0x0;
	_ =	strace $0x90000053  }
0x4e: {  	s0 =	sadd.s32 @!p0 $0x100000, s0;
	[bflag:$0x2] =	sbarrier.arrive $0xFFFF  }
0x4f: {  	[sflag:s0] =	ssyncadd.tile.s32 @!p0 $0x1;
	_ =	shalt  }
.Lfunc_end2:
_tile_overlayer_lowered:
.L_overlay_start_2:
0x50: {  	(tag) =	ssettag $0x2  }
0x51: {  	s0 =	rddreg [dreg:$0x0];
	s2 =	stileid.u32  }
0x52: {  	s1 =	rddreg [dreg:$0x1];
	p0 =	sne.s32 s2, $0x0  }
0x53: {  	s3 =	rddreg [dreg:$0x2];
	[bflag:$0x3] =	sbarrier.arrive $0xFFFF;
	s2 =	simm.s32 @!p0 $0x1C02  }
0x54: {  	[timem:s3], [sflag:s2] =	dma.local @!p0 [hbm:s0], s1  }
0x55: {  	s0 =	simm.s32 @!p0 $0x2  }
0x56: {  	_ =	swait.ge @!p0 [sflag:s0], s1  }
0x57: {  	s1 =	ssub.s32 @!p0 $0x0, s1;
	[sflag:s0] =	ssyncset.done @!p0 $0x0  }
0x58: {  	[sflag:s0] =	ssyncadd.s32 @!p0 s1  }
0x59: {  	[bflag:$0x3] =	sbarrier.arrive $0xFFFF  }
0x5a: {  	_ =	shalt  }

</sc_bundles>
